<compile_context>
chip_gen: v7x
topology: tpu7x:2x2x1
jax: 0.10.2.dev20260603
libtpu: 0.0.44.dev20260713+nightly
codegen_flags: <defaults>
</compile_context>

<pallas_src>
import functools

import jax
import jax.numpy as jnp
from jax import lax
from jax.experimental import pallas as pl
from jax.experimental.pallas import tpu as pltpu
from jax.experimental.pallas import tpu_sc as plsc

NBUF = 8
NSLOT = 64


@functools.cache
def _build(batch, rows, dim):
    info = plsc.get_sparse_core_info()
    nc, ns = info.num_cores, info.num_subcores
    nw = nc * ns
    nblk = (rows + 127) // 128
    bpw = (nblk + nw - 1) // nw
    n_full = (rows // 128) * 128
    tail0 = rows - 128
    nvec = batch // 16
    mesh = plsc.VectorSubcoreMesh(core_axis_name="c", subcore_axis_name="s")

    @functools.partial(
        pl.kernel,
        mesh=mesh,
        out_type=jax.ShapeDtypeStruct((batch * dim,), jnp.float32),
        scratch_types=[
            pltpu.VMEM((batch,), jnp.int32),
            pltpu.VMEM((batch,), jnp.int32),
            pltpu.VMEM((batch,), jnp.int32),
            pltpu.VMEM((256,), jnp.int32),
            pltpu.VMEM((256,), jnp.int32),
            pltpu.VMEM((256,), jnp.int32),
            pltpu.VMEM((272,), jnp.int32),
            pltpu.VMEM((272,), jnp.int32),
            pltpu.VMEM((272,), jnp.int32),
            pltpu.VMEM((NBUF, dim, 128), jnp.float32),
            pltpu.VMEM((NSLOT * dim,), jnp.float32),
            pltpu.SemaphoreType.DMA,
            pltpu.SemaphoreType.DMA,
        ],
        compiler_params=pltpu.CompilerParams(needs_layout_passes=False),
    )
    def gather_kernel(
        idx_hbm,
        tablet_hbm,
        tail_hbm,
        out_hbm,
        xbuf,
        sorted_r,
        sorted_pos,
        hist,
        offs,
        woffs,
        blkids,
        bstart,
        bend,
        stage,
        oslots,
        sem,
        osem,
    ):
        wid = lax.axis_index("s") * nc + lax.axis_index("c")
        lo = wid * bpw
        hi = lo + bpw
        lanes = lax.iota(jnp.int32, 16)
        zeros = jnp.zeros((16,), jnp.int32)

        pltpu.sync_copy(idx_hbm, xbuf)

        def rd16(ref, g):
            return ref[pl.ds(pl.multiple_of(lax.mul(g, 16), 16), 16)]

        def extract(ref, i):
            v = rd16(ref, lax.div(i, 16))
            return jnp.sum(jnp.where(lanes == lax.rem(i, 16), v, 0))

        for i in range(16):
            hist[pl.ds(i * 16, 16)] = zeros

        def hist_body(v, _):
            xv = rd16(xbuf, v)
            blk = lax.shift_right_logical(xv, 7)
            mine = (blk >= lo) & (blk < hi)
            lblk = blk - lo
            cnt, last = plsc.scan_count(lblk, mine)
            plsc.addupdate_scatter(hist, [lblk], cnt, mask=mine & last)
            return ()

        lax.fori_loop(0, nvec, hist_body, (), unroll=2)

        def scan_body(i, carry):
            h = rd16(hist, i)
            s = plsc.cumsum(h)
            offs[pl.ds(pl.multiple_of(lax.mul(i, 16), 16), 16)] = s - h + carry
            return carry + jnp.sum(h)

        lax.fori_loop(0, 16, scan_body, jnp.int32(0), unroll=2)
        for i in range(16):
            woffs[pl.ds(i * 16, 16)] = offs[pl.ds(i * 16, 16)]

        def perm_body(v, _):
            xv = rd16(xbuf, v)
            blk = lax.shift_right_logical(xv, 7)
            mine = (blk >= lo) & (blk < hi)
            lblk = blk - lo
            cur = plsc.load_gather(woffs, [lblk], mask=mine)
            cnt, last = plsc.scan_count(lblk, mine)
            dst = cur + cnt - 1
            posv = lanes + lax.mul(v, 16)
            plsc.store_scatter(sorted_r, [dst], xv, mask=mine)
            plsc.store_scatter(sorted_pos, [dst], posv, mask=mine)
            plsc.addupdate_scatter(woffs, [lblk], cnt, mask=mine & last)
            return ()

        lax.fori_loop(0, nvec, perm_body, (), unroll=2)

        def compact_body2(i, nb):
            h = rd16(hist, i)
            o = rd16(offs, i)
            nonempty = h > 0
            ids = lanes + lax.mul(i, 16) + lo
            plsc.store_compressed(blkids.at[pl.ds(nb, 16)], ids, mask=nonempty)
            plsc.store_compressed(bstart.at[pl.ds(nb, 16)], o, mask=nonempty)
            plsc.store_compressed(bend.at[pl.ds(nb, 16)], o + h, mask=nonempty)
            return nb + jnp.sum(jnp.where(nonempty, 1, 0))

        nblocks = lax.fori_loop(0, 16, compact_body2, jnp.int32(0), unroll=2)

        def issue(j):
            blkid = extract(blkids, j)
            off = lax.mul(blkid, 128)
            buf = lax.rem(j, NBUF)

            @pl.when(off < n_full)
            def _():
                pltpu.async_copy(
                    tablet_hbm.at[:, pl.ds(pl.multiple_of(off, 128), 128)],
                    stage.at[buf],
                    sem,
                )

            @pl.when(off >= n_full)
            def _():
                pltpu.async_copy(tail_hbm, stage.at[buf], sem)

        for j in range(NBUF):

            @pl.when(j < nblocks)
            def _():
                issue(j)

        def sweep_body(j, ocnt):
            buf = lax.rem(j, NBUF)
            pltpu.make_async_copy(
                tablet_hbm.at[:, pl.ds(0, 128)], stage.at[buf], sem
            ).wait()
            blkid = extract(blkids, j)
            off = lax.mul(blkid, 128)
            start = extract(bstart, j)
            end = extract(bend, j)
            bufv = jnp.full((16,), buf, jnp.int32)

            def entry_body(e, oc):
                r = extract(sorted_r, e)
                pos = extract(sorted_pos, e)
                lane = jnp.where(off < n_full, r - off, r - tail0)
                lanev = jnp.full((16,), lane, jnp.int32)
                slot = lax.rem(oc, NSLOT)

                @pl.when(oc >= NSLOT)
                def _():
                    pltpu.make_async_copy(
                        oslots.at[pl.ds(0, dim)],
                        out_hbm.at[pl.ds(0, dim)],
                        osem,
                    ).wait()

                for c0 in range(0, dim, 16):
                    vals = plsc.load_gather(stage, [bufv, lanes + c0, lanev])
                    oslots[
                        pl.ds(pl.multiple_of(slot * dim + c0, 16), 16)
                    ] = vals
                pltpu.async_copy(
                    oslots.at[pl.ds(pl.multiple_of(slot * dim, 16), dim)],
                    out_hbm.at[pl.ds(lax.mul(pos, dim), dim)],
                    osem,
                )
                return oc + 1

            ocnt = lax.fori_loop(start, end, entry_body, ocnt)

            @pl.when(j + NBUF < nblocks)
            def _():
                issue(j + NBUF)

            return ocnt

        ocnt = lax.fori_loop(0, nblocks, sweep_body, jnp.int32(0))

        ndrain = jnp.where(ocnt < NSLOT, ocnt, NSLOT)

        def drain_body(i, _):
            pltpu.make_async_copy(
                oslots.at[pl.ds(0, dim)], out_hbm.at[pl.ds(0, dim)], osem
            ).wait()
            return ()

        lax.fori_loop(0, ndrain, drain_body, ())

    return gather_kernel


def kernel(x, table):
    rows, dim = table.shape
    batch = x.shape[0]
    tablet = table.T
    tail = lax.slice(tablet, (0, rows - 128), (dim, rows))
    flat = _build(batch, rows, dim)(x.astype(jnp.int32), tablet, tail)
    return flat.reshape(batch, dim)

# --- scband reference (transcript-rebuilt; emitter-appended) ---
"""Pipeline reference for scband-user-embedding-18322330485360 (READ-ONLY COPY).

The authoritative reference and input builder live on the scoring server;
editing this copy changes nothing except your own understanding.
"""

import jax, jax.numpy as jnp
import numpy as np

USER_COUNT = 1000000
EMBED_DIM = 64
BATCH = 16384

def setup_inputs(seed: int = 0) -> dict:
    key = jax.random.key(seed)
    k_idx, k_tab = jax.random.split(key)
    x = jax.random.randint(k_idx, (BATCH,), 0, USER_COUNT, dtype=jnp.int64 if jax.config.jax_enable_x64 else jnp.int32)
    # nn.Embedding default init: N(0, 1)
    table = jax.random.normal(k_tab, (USER_COUNT, EMBED_DIM), dtype=jnp.float32)
    return {"x": x, "table": table}

def reference(x, table):
    # UserEmbedding.forward: self.user_emb(x) -> gather rows
    return jnp.take(table, x, axis=0)

if __name__ == "__main__":
    import jax
    _d = setup_inputs()
    print(jax.jit(kernel)(*tuple(_d.values())))

</pallas_src>

<mosaic_0001>
#map = affine_map<(d0, d1) -> (0)>
#map1 = affine_map<(d0, d1) -> (0, 0)>
module attributes {stable_mosaic.version = 14 : i64} {
  func.func @gather_kernel(%arg0: i32, %arg1: i32, %arg2: memref<16384xi32, #tpu.memory_space<hbm>>, %arg3: memref<64x1000000xf32, #tpu.memory_space<hbm>>, %arg4: memref<64x128xf32, #tpu.memory_space<hbm>>, %arg5: memref<1048576xf32, #tpu.memory_space<hbm>>, %arg6: memref<16384xi32, #tpu.memory_space<vmem>>, %arg7: memref<16384xi32, #tpu.memory_space<vmem>>, %arg8: memref<16384xi32, #tpu.memory_space<vmem>>, %arg9: memref<256xi32, #tpu.memory_space<vmem>>, %arg10: memref<256xi32, #tpu.memory_space<vmem>>, %arg11: memref<256xi32, #tpu.memory_space<vmem>>, %arg12: memref<272xi32, #tpu.memory_space<vmem>>, %arg13: memref<272xi32, #tpu.memory_space<vmem>>, %arg14: memref<272xi32, #tpu.memory_space<vmem>>, %arg15: memref<8x64x128xf32, #tpu.memory_space<vmem>>, %arg16: memref<4096xf32, #tpu.memory_space<vmem>>, %arg17: memref<!tpu.dma_semaphore, #tpu.memory_space<semaphore_mem>>, %arg18: memref<!tpu.dma_semaphore, #tpu.memory_space<semaphore_mem>>) attributes {dimension_semantics = [#tpu.dimension_semantics<core_parallel>, #tpu.dimension_semantics<subcore_parallel>], iteration_bounds = array<i64: 2, 16>, scalar_prefetch = 0 : i64, scratch_operands = 13 : i64, tpu.core_type = #tpu.core_type<sc_vector_subcore>, window_params = [{transform_indices = #map}, {transform_indices = #map1}, {transform_indices = #map1}, {transform_indices = #map}]} {
    %mul3A = arith.constant 2 : i32
    %mul3A_0 = arith.muli %arg1, %mul3A : i32
    %add3A = arith.addi %mul3A_0, %arg0 : i32
    %mul3A_1 = arith.constant 245 : i32
    %mul3A_2 = arith.muli %add3A, %mul3A_1 : i32
    %add3A_3 = arith.constant 245 : i32
    %add3A_4 = arith.addi %mul3A_2, %add3A_3 : i32
    %iota3A = tpu.iota {dimensions = array<i32: 0>} : vector<16xi32>
    %broadcast_in_dim3A = arith.constant 0 : i32
    %broadcast_in_dim3A_5 = vector.broadcast %broadcast_in_dim3A : i32 to vector<16xi32>
    "tpu.region"() ({
      %run_scoped3A = tpu.sem_alloc : memref<!tpu.dma_semaphore, #tpu.memory_space<semaphore_mem>>
      tpu.enqueue_dma source(%arg2 : memref<16384xi32, #tpu.memory_space<hbm>>) target(%arg6 : memref<16384xi32, #tpu.memory_space<vmem>>) target_semaphore(%run_scoped3A : memref<!tpu.dma_semaphore, #tpu.memory_space<semaphore_mem>>)
      tpu.wait_dma2 semaphore(%run_scoped3A : memref<!tpu.dma_semaphore, #tpu.memory_space<semaphore_mem>>) src(%arg2 : memref<16384xi32, #tpu.memory_space<hbm>>) dst(%arg6 : memref<16384xi32, #tpu.memory_space<vmem>>)
      tpu.yield
    }) : () -> ()
    %swap3A = arith.constant 0 : index
    %swap3A_6 = tpu.vector_load %arg9[%swap3A] {strides = array<i32>} : memref<256xi32, #tpu.memory_space<vmem>>, vector<16xi32>,
    tpu.vector_store %arg9[%swap3A], %broadcast_in_dim3A_5 {strides = array<i32>} : memref<256xi32, #tpu.memory_space<vmem>>, vector<16xi32>,
    %swap3A_7 = arith.constant 16 : index
    %swap3A_8 = tpu.vector_load %arg9[%swap3A_7] {strides = array<i32>} : memref<256xi32, #tpu.memory_space<vmem>>, vector<16xi32>,
    tpu.vector_store %arg9[%swap3A_7], %broadcast_in_dim3A_5 {strides = array<i32>} : memref<256xi32, #tpu.memory_space<vmem>>, vector<16xi32>,
    %swap3A_9 = arith.constant 32 : index
    %swap3A_10 = tpu.vector_load %arg9[%swap3A_9] {strides = array<i32>} : memref<256xi32, #tpu.memory_space<vmem>>, vector<16xi32>,
    tpu.vector_store %arg9[%swap3A_9], %broadcast_in_dim3A_5 {strides = array<i32>} : memref<256xi32, #tpu.memory_space<vmem>>, vector<16xi32>,
    %swap3A_11 = arith.constant 48 : index
    %swap3A_12 = tpu.vector_load %arg9[%swap3A_11] {strides = array<i32>} : memref<256xi32, #tpu.memory_space<vmem>>, vector<16xi32>,
    tpu.vector_store %arg9[%swap3A_11], %broadcast_in_dim3A_5 {strides = array<i32>} : memref<256xi32, #tpu.memory_space<vmem>>, vector<16xi32>,
    %swap3A_13 = arith.constant 64 : index
    %swap3A_14 = tpu.vector_load %arg9[%swap3A_13] {strides = array<i32>} : memref<256xi32, #tpu.memory_space<vmem>>, vector<16xi32>,
    tpu.vector_store %arg9[%swap3A_13], %broadcast_in_dim3A_5 {strides = array<i32>} : memref<256xi32, #tpu.memory_space<vmem>>, vector<16xi32>,
    %swap3A_15 = arith.constant 80 : index
    %swap3A_16 = tpu.vector_load %arg9[%swap3A_15] {strides = array<i32>} : memref<256xi32, #tpu.memory_space<vmem>>, vector<16xi32>,
    tpu.vector_store %arg9[%swap3A_15], %broadcast_in_dim3A_5 {strides = array<i32>} : memref<256xi32, #tpu.memory_space<vmem>>, vector<16xi32>,
    %swap3A_17 = arith.constant 96 : index
    %swap3A_18 = tpu.vector_load %arg9[%swap3A_17] {strides = array<i32>} : memref<256xi32, #tpu.memory_space<vmem>>, vector<16xi32>,
    tpu.vector_store %arg9[%swap3A_17], %broadcast_in_dim3A_5 {strides = array<i32>} : memref<256xi32, #tpu.memory_space<vmem>>, vector<16xi32>,
    %swap3A_19 = arith.constant 112 : index
    %swap3A_20 = tpu.vector_load %arg9[%swap3A_19] {strides = array<i32>} : memref<256xi32, #tpu.memory_space<vmem>>, vector<16xi32>,
    tpu.vector_store %arg9[%swap3A_19], %broadcast_in_dim3A_5 {strides = array<i32>} : memref<256xi32, #tpu.memory_space<vmem>>, vector<16xi32>,
    %swap3A_21 = arith.constant 128 : index
    %swap3A_22 = tpu.vector_load %arg9[%swap3A_21] {strides = array<i32>} : memref<256xi32, #tpu.memory_space<vmem>>, vector<16xi32>,
    tpu.vector_store %arg9[%swap3A_21], %broadcast_in_dim3A_5 {strides = array<i32>} : memref<256xi32, #tpu.memory_space<vmem>>, vector<16xi32>,
    %swap3A_23 = arith.constant 144 : index
    %swap3A_24 = tpu.vector_load %arg9[%swap3A_23] {strides = array<i32>} : memref<256xi32, #tpu.memory_space<vmem>>, vector<16xi32>,
    tpu.vector_store %arg9[%swap3A_23], %broadcast_in_dim3A_5 {strides = array<i32>} : memref<256xi32, #tpu.memory_space<vmem>>, vector<16xi32>,
    %swap3A_25 = arith.constant 160 : index
    %swap3A_26 = tpu.vector_load %arg9[%swap3A_25] {strides = array<i32>} : memref<256xi32, #tpu.memory_space<vmem>>, vector<16xi32>,
    tpu.vector_store %arg9[%swap3A_25], %broadcast_in_dim3A_5 {strides = array<i32>} : memref<256xi32, #tpu.memory_space<vmem>>, vector<16xi32>,
    %swap3A_27 = arith.constant 176 : index
    %swap3A_28 = tpu.vector_load %arg9[%swap3A_27] {strides = array<i32>} : memref<256xi32, #tpu.memory_space<vmem>>, vector<16xi32>,
    tpu.vector_store %arg9[%swap3A_27], %broadcast_in_dim3A_5 {strides = array<i32>} : memref<256xi32, #tpu.memory_space<vmem>>, vector<16xi32>,
    %swap3A_29 = arith.constant 192 : index
    %swap3A_30 = tpu.vector_load %arg9[%swap3A_29] {strides = array<i32>} : memref<256xi32, #tpu.memory_space<vmem>>, vector<16xi32>,
    tpu.vector_store %arg9[%swap3A_29], %broadcast_in_dim3A_5 {strides = array<i32>} : memref<256xi32, #tpu.memory_space<vmem>>, vector<16xi32>,
    %swap3A_31 = arith.constant 208 : index
    %swap3A_32 = tpu.vector_load %arg9[%swap3A_31] {strides = array<i32>} : memref<256xi32, #tpu.memory_space<vmem>>, vector<16xi32>,
    tpu.vector_store %arg9[%swap3A_31], %broadcast_in_dim3A_5 {strides = array<i32>} : memref<256xi32, #tpu.memory_space<vmem>>, vector<16xi32>,
    %swap3A_33 = arith.constant 224 : index
    %swap3A_34 = tpu.vector_load %arg9[%swap3A_33] {strides = array<i32>} : memref<256xi32, #tpu.memory_space<vmem>>, vector<16xi32>,
    tpu.vector_store %arg9[%swap3A_33], %broadcast_in_dim3A_5 {strides = array<i32>} : memref<256xi32, #tpu.memory_space<vmem>>, vector<16xi32>,
    %swap3A_35 = arith.constant 240 : index
    %swap3A_36 = tpu.vector_load %arg9[%swap3A_35] {strides = array<i32>} : memref<256xi32, #tpu.memory_space<vmem>>, vector<16xi32>,
    tpu.vector_store %arg9[%swap3A_35], %broadcast_in_dim3A_5 {strides = array<i32>} : memref<256xi32, #tpu.memory_space<vmem>>, vector<16xi32>,
    %scan3A = arith.constant 0 : i32
    %scan3A_37 = arith.constant 1024 : i32
    %scan3A_38 = arith.addi %scan3A, %scan3A_37 : i32
    %scan3A_39 = arith.constant 2 : i32
    scf.for %scan3A_181 = %scan3A to %scan3A_38 step %scan3A_39  : i32 {
      %mul3A_182 = arith.constant 16 : i32
      %mul3A_183 = arith.muli %scan3A_181, %mul3A_182 : i32
      %multiple_of3A = tpu.assume_multiple %mul3A_183, 16 : i32
      %get3A_184 = arith.index_cast %multiple_of3A : i32 to index
      %get3A_185 = tpu.vector_load %arg6[%get3A_184] {strides = array<i32>} : memref<16384xi32, #tpu.memory_space<vmem>>, vector<16xi32>,
      %shift_right_logical3A = arith.constant 7 : i32
      %shift_right_logical3A_186 = vector.broadcast %shift_right_logical3A : i32 to vector<16xi32>
      %shift_right_logical3A_187 = arith.shrui %get3A_185, %shift_right_logical3A_186 : vector<16xi32>
      %ge3A = vector.broadcast %mul3A_2 : i32 to vector<16xi32>
      %ge3A_188 = arith.cmpi sge, %shift_right_logical3A_187, %ge3A : vector<16xi32>
      %lt3A_189 = vector.broadcast %add3A_4 : i32 to vector<16xi32>
      %lt3A_190 = arith.cmpi slt, %shift_right_logical3A_187, %lt3A_189 : vector<16xi32>
      %and3A = arith.andi %ge3A_188, %lt3A_190 : vector<16xi1>
      %sub3A = vector.broadcast %mul3A_2 : i32 to vector<16xi32>
      %sub3A_191 = arith.subi %shift_right_logical3A_187, %sub3A : vector<16xi32>
      %unique3A, %unique3A_192 = tpu.scan_count mask(%and3A : vector<16xi1>) value(%sub3A_191 : vector<16xi32>) : vector<16xi1>, vector<16xi32>
      %and3A_193 = arith.andi %and3A, %unique3A : vector<16xi1>
      tpu.vector_store_idx %arg9[%sub3A_191], %unique3A_192 masked %and3A_193 {add = true} : memref<256xi32, #tpu.memory_space<vmem>>[vector<16xi32>], vector<16xi32>, vector<16xi1>
      %scan3A_194 = arith.constant 1 : i32
      %scan3A_195 = arith.addi %scan3A_181, %scan3A_194 : i32
      %mul3A_196 = arith.constant 16 : i32
      %mul3A_197 = arith.muli %scan3A_195, %mul3A_196 : i32
      %multiple_of3A_198 = tpu.assume_multiple %mul3A_197, 16 : i32
      %get3A_199 = arith.index_cast %multiple_of3A_198 : i32 to index
      %get3A_200 = tpu.vector_load %arg6[%get3A_199] {strides = array<i32>} : memref<16384xi32, #tpu.memory_space<vmem>>, vector<16xi32>,
      %shift_right_logical3A_201 = arith.constant 7 : i32
      %shift_right_logical3A_202 = vector.broadcast %shift_right_logical3A_201 : i32 to vector<16xi32>
      %shift_right_logical3A_203 = arith.shrui %get3A_200, %shift_right_logical3A_202 : vector<16xi32>
      %ge3A_204 = vector.broadcast %mul3A_2 : i32 to vector<16xi32>
      %ge3A_205 = arith.cmpi sge, %shift_right_logical3A_203, %ge3A_204 : vector<16xi32>
      %lt3A_206 = vector.broadcast %add3A_4 : i32 to vector<16xi32>
      %lt3A_207 = arith.cmpi slt, %shift_right_logical3A_203, %lt3A_206 : vector<16xi32>
      %and3A_208 = arith.andi %ge3A_205, %lt3A_207 : vector<16xi1>
      %sub3A_209 = vector.broadcast %mul3A_2 : i32 to vector<16xi32>
      %sub3A_210 = arith.subi %shift_right_logical3A_203, %sub3A_209 : vector<16xi32>
      %unique3A_211, %unique3A_212 = tpu.scan_count mask(%and3A_208 : vector<16xi1>) value(%sub3A_210 : vector<16xi32>) : vector<16xi1>, vector<16xi32>
      %and3A_213 = arith.andi %and3A_208, %unique3A_211 : vector<16xi1>
      tpu.vector_store_idx %arg9[%sub3A_210], %unique3A_212 masked %and3A_213 {add = true} : memref<256xi32, #tpu.memory_space<vmem>>[vector<16xi32>], vector<16xi32>, vector<16xi1>
    }
    %scan3A_40 = arith.constant 1024 : i32
    %scan3A_41 = arith.constant 0 : i32
    %scan3A_42 = arith.constant 0 : i32
    %scan3A_43 = arith.constant 16 : i32
    %scan3A_44 = arith.addi %scan3A_42, %scan3A_43 : i32
    %scan3A_45 = arith.constant 2 : i32
    %scan3A_46 = scf.for %scan3A_181 = %scan3A_42 to %scan3A_44 step %scan3A_45 iter_args(%scan3A_182 = %scan3A_41) -> (i32)  : i32 {
      %mul3A_183 = arith.constant 16 : i32
      %mul3A_184 = arith.muli %scan3A_181, %mul3A_183 : i32
      %multiple_of3A = tpu.assume_multiple %mul3A_184, 16 : i32
      %get3A_185 = arith.index_cast %multiple_of3A : i32 to index
      %get3A_186 = tpu.vector_load %arg9[%get3A_185] {strides = array<i32>} : memref<256xi32, #tpu.memory_space<vmem>>, vector<16xi32>,
      %broadcast_in_dim3A_187 = arith.constant true
      %broadcast_in_dim3A_188 = vector.broadcast %broadcast_in_dim3A_187 : i1 to vector<16xi1>
      %masked_cumsum3A = tpu.scan <sum>, %get3A_186 masked %broadcast_in_dim3A_188 : vector<16xi32>, vector<16xi1> -> vector<16xi32>
      %sub3A = arith.subi %masked_cumsum3A, %get3A_186 : vector<16xi32>
      %add3A_189 = vector.broadcast %scan3A_182 : i32 to vector<16xi32>
      %add3A_190 = arith.addi %sub3A, %add3A_189 : vector<16xi32>
      %mul3A_191 = arith.constant 16 : i32
      %mul3A_192 = arith.muli %scan3A_181, %mul3A_191 : i32
      %multiple_of3A_193 = tpu.assume_multiple %mul3A_192, 16 : i32
      %swap3A_194 = arith.index_cast %multiple_of3A_193 : i32 to index
      %swap3A_195 = tpu.vector_load %arg10[%swap3A_194] {strides = array<i32>} : memref<256xi32, #tpu.memory_space<vmem>>, vector<16xi32>,
      tpu.vector_store %arg10[%swap3A_194], %add3A_190 {strides = array<i32>} : memref<256xi32, #tpu.memory_space<vmem>>, vector<16xi32>,
      %reduce_sum3A = arith.constant true
      %reduce_sum3A_196 = vector.broadcast %reduce_sum3A : i1 to vector<16xi1>
      %reduce_sum3A_197 = tpu.scan <sum>, %get3A_186 masked %reduce_sum3A_196 : vector<16xi32>, vector<16xi1> -> vector<16xi32>
      %reduce_sum3A_198 = vector.extract %reduce_sum3A_197[15] : i32 from vector<16xi32>
      %add3A_199 = arith.addi %scan3A_182, %reduce_sum3A_198 : i32
      %scan3A_200 = arith.constant 1 : i32
      %scan3A_201 = arith.addi %scan3A_181, %scan3A_200 : i32
      %mul3A_202 = arith.constant 16 : i32
      %mul3A_203 = arith.muli %scan3A_201, %mul3A_202 : i32
      %multiple_of3A_204 = tpu.assume_multiple %mul3A_203, 16 : i32
      %get3A_205 = arith.index_cast %multiple_of3A_204 : i32 to index
      %get3A_206 = tpu.vector_load %arg9[%get3A_205] {strides = array<i32>} : memref<256xi32, #tpu.memory_space<vmem>>, vector<16xi32>,
      %broadcast_in_dim3A_207 = arith.constant true
      %broadcast_in_dim3A_208 = vector.broadcast %broadcast_in_dim3A_207 : i1 to vector<16xi1>
      %masked_cumsum3A_209 = tpu.scan <sum>, %get3A_206 masked %broadcast_in_dim3A_208 : vector<16xi32>, vector<16xi1> -> vector<16xi32>
      %sub3A_210 = arith.subi %masked_cumsum3A_209, %get3A_206 : vector<16xi32>
      %add3A_211 = vector.broadcast %add3A_199 : i32 to vector<16xi32>
      %add3A_212 = arith.addi %sub3A_210, %add3A_211 : vector<16xi32>
      %mul3A_213 = arith.constant 16 : i32
      %mul3A_214 = arith.muli %scan3A_201, %mul3A_213 : i32
      %multiple_of3A_215 = tpu.assume_multiple %mul3A_214, 16 : i32
      %swap3A_216 = arith.index_cast %multiple_of3A_215 : i32 to index
      %swap3A_217 = tpu.vector_load %arg10[%swap3A_216] {strides = array<i32>} : memref<256xi32, #tpu.memory_space<vmem>>, vector<16xi32>,
      tpu.vector_store %arg10[%swap3A_216], %add3A_212 {strides = array<i32>} : memref<256xi32, #tpu.memory_space<vmem>>, vector<16xi32>,
      %reduce_sum3A_218 = arith.constant true
      %reduce_sum3A_219 = vector.broadcast %reduce_sum3A_218 : i1 to vector<16xi1>
      %reduce_sum3A_220 = tpu.scan <sum>, %get3A_206 masked %reduce_sum3A_219 : vector<16xi32>, vector<16xi1> -> vector<16xi32>
      %reduce_sum3A_221 = vector.extract %reduce_sum3A_220[15] : i32 from vector<16xi32>
      %add3A_222 = arith.addi %add3A_199, %reduce_sum3A_221 : i32
      scf.yield %add3A_222 : i32
    }
    %scan3A_47 = arith.constant 16 : i32
    %get3A = arith.constant 0 : index
    %get3A_48 = tpu.vector_load %arg10[%get3A] {strides = array<i32>} : memref<256xi32, #tpu.memory_space<vmem>>, vector<16xi32>,
    %swap3A_49 = arith.constant 0 : index
    %swap3A_50 = tpu.vector_load %arg11[%swap3A_49] {strides = array<i32>} : memref<256xi32, #tpu.memory_space<vmem>>, vector<16xi32>,
    tpu.vector_store %arg11[%swap3A_49], %get3A_48 {strides = array<i32>} : memref<256xi32, #tpu.memory_space<vmem>>, vector<16xi32>,
    %get3A_51 = arith.constant 16 : index
    %get3A_52 = tpu.vector_load %arg10[%get3A_51] {strides = array<i32>} : memref<256xi32, #tpu.memory_space<vmem>>, vector<16xi32>,
    %swap3A_53 = arith.constant 16 : index
    %swap3A_54 = tpu.vector_load %arg11[%swap3A_53] {strides = array<i32>} : memref<256xi32, #tpu.memory_space<vmem>>, vector<16xi32>,
    tpu.vector_store %arg11[%swap3A_53], %get3A_52 {strides = array<i32>} : memref<256xi32, #tpu.memory_space<vmem>>, vector<16xi32>,
    %get3A_55 = arith.constant 32 : index
    %get3A_56 = tpu.vector_load %arg10[%get3A_55] {strides = array<i32>} : memref<256xi32, #tpu.memory_space<vmem>>, vector<16xi32>,
    %swap3A_57 = arith.constant 32 : index
    %swap3A_58 = tpu.vector_load %arg11[%swap3A_57] {strides = array<i32>} : memref<256xi32, #tpu.memory_space<vmem>>, vector<16xi32>,
    tpu.vector_store %arg11[%swap3A_57], %get3A_56 {strides = array<i32>} : memref<256xi32, #tpu.memory_space<vmem>>, vector<16xi32>,
    %get3A_59 = arith.constant 48 : index
    %get3A_60 = tpu.vector_load %arg10[%get3A_59] {strides = array<i32>} : memref<256xi32, #tpu.memory_space<vmem>>, vector<16xi32>,
    %swap3A_61 = arith.constant 48 : index
    %swap3A_62 = tpu.vector_load %arg11[%swap3A_61] {strides = array<i32>} : memref<256xi32, #tpu.memory_space<vmem>>, vector<16xi32>,
    tpu.vector_store %arg11[%swap3A_61], %get3A_60 {strides = array<i32>} : memref<256xi32, #tpu.memory_space<vmem>>, vector<16xi32>,
    %get3A_63 = arith.constant 64 : index
    %get3A_64 = tpu.vector_load %arg10[%get3A_63] {strides = array<i32>} : memref<256xi32, #tpu.memory_space<vmem>>, vector<16xi32>,
    %swap3A_65 = arith.constant 64 : index
    %swap3A_66 = tpu.vector_load %arg11[%swap3A_65] {strides = array<i32>} : memref<256xi32, #tpu.memory_space<vmem>>, vector<16xi32>,
    tpu.vector_store %arg11[%swap3A_65], %get3A_64 {strides = array<i32>} : memref<256xi32, #tpu.memory_space<vmem>>, vector<16xi32>,
    %get3A_67 = arith.constant 80 : index
    %get3A_68 = tpu.vector_load %arg10[%get3A_67] {strides = array<i32>} : memref<256xi32, #tpu.memory_space<vmem>>, vector<16xi32>,
    %swap3A_69 = arith.constant 80 : index
    %swap3A_70 = tpu.vector_load %arg11[%swap3A_69] {strides = array<i32>} : memref<256xi32, #tpu.memory_space<vmem>>, vector<16xi32>,
    tpu.vector_store %arg11[%swap3A_69], %get3A_68 {strides = array<i32>} : memref<256xi32, #tpu.memory_space<vmem>>, vector<16xi32>,
    %get3A_71 = arith.constant 96 : index
    %get3A_72 = tpu.vector_load %arg10[%get3A_71] {strides = array<i32>} : memref<256xi32, #tpu.memory_space<vmem>>, vector<16xi32>,
    %swap3A_73 = arith.constant 96 : index
    %swap3A_74 = tpu.vector_load %arg11[%swap3A_73] {strides = array<i32>} : memref<256xi32, #tpu.memory_space<vmem>>, vector<16xi32>,
    tpu.vector_store %arg11[%swap3A_73], %get3A_72 {strides = array<i32>} : memref<256xi32, #tpu.memory_space<vmem>>, vector<16xi32>,
    %get3A_75 = arith.constant 112 : index
    %get3A_76 = tpu.vector_load %arg10[%get3A_75] {strides = array<i32>} : memref<256xi32, #tpu.memory_space<vmem>>, vector<16xi32>,
    %swap3A_77 = arith.constant 112 : index
    %swap3A_78 = tpu.vector_load %arg11[%swap3A_77] {strides = array<i32>} : memref<256xi32, #tpu.memory_space<vmem>>, vector<16xi32>,
    tpu.vector_store %arg11[%swap3A_77], %get3A_76 {strides = array<i32>} : memref<256xi32, #tpu.memory_space<vmem>>, vector<16xi32>,
    %get3A_79 = arith.constant 128 : index
    %get3A_80 = tpu.vector_load %arg10[%get3A_79] {strides = array<i32>} : memref<256xi32, #tpu.memory_space<vmem>>, vector<16xi32>,
    %swap3A_81 = arith.constant 128 : index
    %swap3A_82 = tpu.vector_load %arg11[%swap3A_81] {strides = array<i32>} : memref<256xi32, #tpu.memory_space<vmem>>, vector<16xi32>,
    tpu.vector_store %arg11[%swap3A_81], %get3A_80 {strides = array<i32>} : memref<256xi32, #tpu.memory_space<vmem>>, vector<16xi32>,
    %get3A_83 = arith.constant 144 : index
    %get3A_84 = tpu.vector_load %arg10[%get3A_83] {strides = array<i32>} : memref<256xi32, #tpu.memory_space<vmem>>, vector<16xi32>,
    %swap3A_85 = arith.constant 144 : index
    %swap3A_86 = tpu.vector_load %arg11[%swap3A_85] {strides = array<i32>} : memref<256xi32, #tpu.memory_space<vmem>>, vector<16xi32>,
    tpu.vector_store %arg11[%swap3A_85], %get3A_84 {strides = array<i32>} : memref<256xi32, #tpu.memory_space<vmem>>, vector<16xi32>,
    %get3A_87 = arith.constant 160 : index
    %get3A_88 = tpu.vector_load %arg10[%get3A_87] {strides = array<i32>} : memref<256xi32, #tpu.memory_space<vmem>>, vector<16xi32>,
    %swap3A_89 = arith.constant 160 : index
    %swap3A_90 = tpu.vector_load %arg11[%swap3A_89] {strides = array<i32>} : memref<256xi32, #tpu.memory_space<vmem>>, vector<16xi32>,
    tpu.vector_store %arg11[%swap3A_89], %get3A_88 {strides = array<i32>} : memref<256xi32, #tpu.memory_space<vmem>>, vector<16xi32>,
    %get3A_91 = arith.constant 176 : index
    %get3A_92 = tpu.vector_load %arg10[%get3A_91] {strides = array<i32>} : memref<256xi32, #tpu.memory_space<vmem>>, vector<16xi32>,
    %swap3A_93 = arith.constant 176 : index
    %swap3A_94 = tpu.vector_load %arg11[%swap3A_93] {strides = array<i32>} : memref<256xi32, #tpu.memory_space<vmem>>, vector<16xi32>,
    tpu.vector_store %arg11[%swap3A_93], %get3A_92 {strides = array<i32>} : memref<256xi32, #tpu.memory_space<vmem>>, vector<16xi32>,
    %get3A_95 = arith.constant 192 : index
    %get3A_96 = tpu.vector_load %arg10[%get3A_95] {strides = array<i32>} : memref<256xi32, #tpu.memory_space<vmem>>, vector<16xi32>,
    %swap3A_97 = arith.constant 192 : index
    %swap3A_98 = tpu.vector_load %arg11[%swap3A_97] {strides = array<i32>} : memref<256xi32, #tpu.memory_space<vmem>>, vector<16xi32>,
    tpu.vector_store %arg11[%swap3A_97], %get3A_96 {strides = array<i32>} : memref<256xi32, #tpu.memory_space<vmem>>, vector<16xi32>,
    %get3A_99 = arith.constant 208 : index
    %get3A_100 = tpu.vector_load %arg10[%get3A_99] {strides = array<i32>} : memref<256xi32, #tpu.memory_space<vmem>>, vector<16xi32>,
    %swap3A_101 = arith.constant 208 : index
    %swap3A_102 = tpu.vector_load %arg11[%swap3A_101] {strides = array<i32>} : memref<256xi32, #tpu.memory_space<vmem>>, vector<16xi32>,
    tpu.vector_store %arg11[%swap3A_101], %get3A_100 {strides = array<i32>} : memref<256xi32, #tpu.memory_space<vmem>>, vector<16xi32>,
    %get3A_103 = arith.constant 224 : index
    %get3A_104 = tpu.vector_load %arg10[%get3A_103] {strides = array<i32>} : memref<256xi32, #tpu.memory_space<vmem>>, vector<16xi32>,
    %swap3A_105 = arith.constant 224 : index
    %swap3A_106 = tpu.vector_load %arg11[%swap3A_105] {strides = array<i32>} : memref<256xi32, #tpu.memory_space<vmem>>, vector<16xi32>,
    tpu.vector_store %arg11[%swap3A_105], %get3A_104 {strides = array<i32>} : memref<256xi32, #tpu.memory_space<vmem>>, vector<16xi32>,
    %get3A_107 = arith.constant 240 : index
    %get3A_108 = tpu.vector_load %arg10[%get3A_107] {strides = array<i32>} : memref<256xi32, #tpu.memory_space<vmem>>, vector<16xi32>,
    %swap3A_109 = arith.constant 240 : index
    %swap3A_110 = tpu.vector_load %arg11[%swap3A_109] {strides = array<i32>} : memref<256xi32, #tpu.memory_space<vmem>>, vector<16xi32>,
    tpu.vector_store %arg11[%swap3A_109], %get3A_108 {strides = array<i32>} : memref<256xi32, #tpu.memory_space<vmem>>, vector<16xi32>,
    %scan3A_111 = arith.constant 0 : i32
    %scan3A_112 = arith.constant 1024 : i32
    %scan3A_113 = arith.addi %scan3A_111, %scan3A_112 : i32
    %scan3A_114 = arith.constant 2 : i32
    scf.for %scan3A_181 = %scan3A_111 to %scan3A_113 step %scan3A_114  : i32 {
      %mul3A_182 = arith.constant 16 : i32
      %mul3A_183 = arith.muli %scan3A_181, %mul3A_182 : i32
      %multiple_of3A = tpu.assume_multiple %mul3A_183, 16 : i32
      %get3A_184 = arith.index_cast %multiple_of3A : i32 to index
      %get3A_185 = tpu.vector_load %arg6[%get3A_184] {strides = array<i32>} : memref<16384xi32, #tpu.memory_space<vmem>>, vector<16xi32>,
      %shift_right_logical3A = arith.constant 7 : i32
      %shift_right_logical3A_186 = vector.broadcast %shift_right_logical3A : i32 to vector<16xi32>
      %shift_right_logical3A_187 = arith.shrui %get3A_185, %shift_right_logical3A_186 : vector<16xi32>
      %ge3A = vector.broadcast %mul3A_2 : i32 to vector<16xi32>
      %ge3A_188 = arith.cmpi sge, %shift_right_logical3A_187, %ge3A : vector<16xi32>
      %lt3A_189 = vector.broadcast %add3A_4 : i32 to vector<16xi32>
      %lt3A_190 = arith.cmpi slt, %shift_right_logical3A_187, %lt3A_189 : vector<16xi32>
      %and3A = arith.andi %ge3A_188, %lt3A_190 : vector<16xi1>
      %sub3A = vector.broadcast %mul3A_2 : i32 to vector<16xi32>
      %sub3A_191 = arith.subi %shift_right_logical3A_187, %sub3A : vector<16xi32>
      %gather3A = tpu.vector_load_idx %arg11[%sub3A_191] masked %and3A : memref<256xi32, #tpu.memory_space<vmem>>[vector<16xi32>], vector<16xi32>, vector<16xi1>
      %unique3A, %unique3A_192 = tpu.scan_count mask(%and3A : vector<16xi1>) value(%sub3A_191 : vector<16xi32>) : vector<16xi1>, vector<16xi32>
      %add3A_193 = arith.addi %gather3A, %unique3A_192 : vector<16xi32>
      %sub3A_194 = arith.constant 1 : i32
      %sub3A_195 = vector.broadcast %sub3A_194 : i32 to vector<16xi32>
      %sub3A_196 = arith.subi %add3A_193, %sub3A_195 : vector<16xi32>
      %mul3A_197 = arith.constant 16 : i32
      %mul3A_198 = arith.muli %scan3A_181, %mul3A_197 : i32
      %add3A_199 = vector.broadcast %mul3A_198 : i32 to vector<16xi32>
      %add3A_200 = arith.addi %iota3A, %add3A_199 : vector<16xi32>
      tpu.vector_store_idx %arg7[%sub3A_196], %get3A_185 masked %and3A : memref<16384xi32, #tpu.memory_space<vmem>>[vector<16xi32>], vector<16xi32>, vector<16xi1>
      tpu.vector_store_idx %arg8[%sub3A_196], %add3A_200 masked %and3A : memref<16384xi32, #tpu.memory_space<vmem>>[vector<16xi32>], vector<16xi32>, vector<16xi1>
      %and3A_201 = arith.andi %and3A, %unique3A : vector<16xi1>
      tpu.vector_store_idx %arg11[%sub3A_191], %unique3A_192 masked %and3A_201 {add = true} : memref<256xi32, #tpu.memory_space<vmem>>[vector<16xi32>], vector<16xi32>, vector<16xi1>
      %scan3A_202 = arith.constant 1 : i32
      %scan3A_203 = arith.addi %scan3A_181, %scan3A_202 : i32
      %mul3A_204 = arith.constant 16 : i32
      %mul3A_205 = arith.muli %scan3A_203, %mul3A_204 : i32
      %multiple_of3A_206 = tpu.assume_multiple %mul3A_205, 16 : i32
      %get3A_207 = arith.index_cast %multiple_of3A_206 : i32 to index
      %get3A_208 = tpu.vector_load %arg6[%get3A_207] {strides = array<i32>} : memref<16384xi32, #tpu.memory_space<vmem>>, vector<16xi32>,
      %shift_right_logical3A_209 = arith.constant 7 : i32
      %shift_right_logical3A_210 = vector.broadcast %shift_right_logical3A_209 : i32 to vector<16xi32>
      %shift_right_logical3A_211 = arith.shrui %get3A_208, %shift_right_logical3A_210 : vector<16xi32>
      %ge3A_212 = vector.broadcast %mul3A_2 : i32 to vector<16xi32>
      %ge3A_213 = arith.cmpi sge, %shift_right_logical3A_211, %ge3A_212 : vector<16xi32>
      %lt3A_214 = vector.broadcast %add3A_4 : i32 to vector<16xi32>
      %lt3A_215 = arith.cmpi slt, %shift_right_logical3A_211, %lt3A_214 : vector<16xi32>
      %and3A_216 = arith.andi %ge3A_213, %lt3A_215 : vector<16xi1>
      %sub3A_217 = vector.broadcast %mul3A_2 : i32 to vector<16xi32>
      %sub3A_218 = arith.subi %shift_right_logical3A_211, %sub3A_217 : vector<16xi32>
      %gather3A_219 = tpu.vector_load_idx %arg11[%sub3A_218] masked %and3A_216 : memref<256xi32, #tpu.memory_space<vmem>>[vector<16xi32>], vector<16xi32>, vector<16xi1>
      %unique3A_220, %unique3A_221 = tpu.scan_count mask(%and3A_216 : vector<16xi1>) value(%sub3A_218 : vector<16xi32>) : vector<16xi1>, vector<16xi32>
      %add3A_222 = arith.addi %gather3A_219, %unique3A_221 : vector<16xi32>
      %sub3A_223 = arith.constant 1 : i32
      %sub3A_224 = vector.broadcast %sub3A_223 : i32 to vector<16xi32>
      %sub3A_225 = arith.subi %add3A_222, %sub3A_224 : vector<16xi32>
      %mul3A_226 = arith.constant 16 : i32
      %mul3A_227 = arith.muli %scan3A_203, %mul3A_226 : i32
      %add3A_228 = vector.broadcast %mul3A_227 : i32 to vector<16xi32>
      %add3A_229 = arith.addi %iota3A, %add3A_228 : vector<16xi32>
      tpu.vector_store_idx %arg7[%sub3A_225], %get3A_208 masked %and3A_216 : memref<16384xi32, #tpu.memory_space<vmem>>[vector<16xi32>], vector<16xi32>, vector<16xi1>
      tpu.vector_store_idx %arg8[%sub3A_225], %add3A_229 masked %and3A_216 : memref<16384xi32, #tpu.memory_space<vmem>>[vector<16xi32>], vector<16xi32>, vector<16xi1>
      %and3A_230 = arith.andi %and3A_216, %unique3A_220 : vector<16xi1>
      tpu.vector_store_idx %arg11[%sub3A_218], %unique3A_221 masked %and3A_230 {add = true} : memref<256xi32, #tpu.memory_space<vmem>>[vector<16xi32>], vector<16xi32>, vector<16xi1>
    }
    %scan3A_115 = arith.constant 1024 : i32
    %scan3A_116 = arith.constant 0 : i32
    %scan3A_117 = arith.constant 0 : i32
    %scan3A_118 = arith.constant 16 : i32
    %scan3A_119 = arith.addi %scan3A_117, %scan3A_118 : i32
    %scan3A_120 = arith.constant 2 : i32
    %scan3A_121 = scf.for %scan3A_181 = %scan3A_117 to %scan3A_119 step %scan3A_120 iter_args(%scan3A_182 = %scan3A_116) -> (i32)  : i32 {
      %mul3A_183 = arith.constant 16 : i32
      %mul3A_184 = arith.muli %scan3A_181, %mul3A_183 : i32
      %multiple_of3A = tpu.assume_multiple %mul3A_184, 16 : i32
      %get3A_185 = arith.index_cast %multiple_of3A : i32 to index
      %get3A_186 = tpu.vector_load %arg9[%get3A_185] {strides = array<i32>} : memref<256xi32, #tpu.memory_space<vmem>>, vector<16xi32>,
      %mul3A_187 = arith.constant 16 : i32
      %mul3A_188 = arith.muli %scan3A_181, %mul3A_187 : i32
      %multiple_of3A_189 = tpu.assume_multiple %mul3A_188, 16 : i32
      %get3A_190 = arith.index_cast %multiple_of3A_189 : i32 to index
      %get3A_191 = tpu.vector_load %arg10[%get3A_190] {strides = array<i32>} : memref<256xi32, #tpu.memory_space<vmem>>, vector<16xi32>,
      %gt3A_192 = arith.constant 0 : i32
      %gt3A_193 = vector.broadcast %gt3A_192 : i32 to vector<16xi32>
      %gt3A_194 = arith.cmpi sgt, %get3A_186, %gt3A_193 : vector<16xi32>
      %mul3A_195 = arith.constant 16 : i32
      %mul3A_196 = arith.muli %scan3A_181, %mul3A_195 : i32
      %add3A_197 = vector.broadcast %mul3A_196 : i32 to vector<16xi32>
      %add3A_198 = arith.addi %iota3A, %add3A_197 : vector<16xi32>
      %add3A_199 = vector.broadcast %mul3A_2 : i32 to vector<16xi32>
      %add3A_200 = arith.addi %add3A_198, %add3A_199 : vector<16xi32>
      %swap3A_201 = arith.index_cast %scan3A_182 : i32 to index
      %swap3A_202 = tpu.vector_load %arg12[%swap3A_201] masked %gt3A_194 {strides = array<i32>} : memref<272xi32, #tpu.memory_space<vmem>>, vector<16xi32>, vector<16xi1>
      tpu.vector_store %arg12[%swap3A_201], %add3A_200 masked %gt3A_194 {strides = array<i32>} : memref<272xi32, #tpu.memory_space<vmem>>, vector<16xi32>, vector<16xi1>
      %swap3A_203 = arith.index_cast %scan3A_182 : i32 to index
      %swap3A_204 = tpu.vector_load %arg13[%swap3A_203] masked %gt3A_194 {strides = array<i32>} : memref<272xi32, #tpu.memory_space<vmem>>, vector<16xi32>, vector<16xi1>
      tpu.vector_store %arg13[%swap3A_203], %get3A_191 masked %gt3A_194 {strides = array<i32>} : memref<272xi32, #tpu.memory_space<vmem>>, vector<16xi32>, vector<16xi1>
      %add3A_205 = arith.addi %get3A_191, %get3A_186 : vector<16xi32>
      %swap3A_206 = arith.index_cast %scan3A_182 : i32 to index
      %swap3A_207 = tpu.vector_load %arg14[%swap3A_206] masked %gt3A_194 {strides = array<i32>} : memref<272xi32, #tpu.memory_space<vmem>>, vector<16xi32>, vector<16xi1>
      tpu.vector_store %arg14[%swap3A_206], %add3A_205 masked %gt3A_194 {strides = array<i32>} : memref<272xi32, #tpu.memory_space<vmem>>, vector<16xi32>, vector<16xi1>
      %jit3A_208 = arith.constant 1 : i32
      %jit3A_209 = arith.constant 0 : i32
      %broadcast_in_dim3A_210 = vector.broadcast %jit3A_208 : i32 to vector<16xi32>
      %broadcast_in_dim3A_211 = vector.broadcast %jit3A_209 : i32 to vector<16xi32>
      %select_n3A_212 = arith.select %gt3A_194, %broadcast_in_dim3A_210, %broadcast_in_dim3A_211 : vector<16xi1>, vector<16xi32>
      %reduce_sum3A = arith.constant true
      %reduce_sum3A_213 = vector.broadcast %reduce_sum3A : i1 to vector<16xi1>
      %reduce_sum3A_214 = tpu.scan <sum>, %select_n3A_212 masked %reduce_sum3A_213 : vector<16xi32>, vector<16xi1> -> vector<16xi32>
      %reduce_sum3A_215 = vector.extract %reduce_sum3A_214[15] : i32 from vector<16xi32>
      %add3A_216 = arith.addi %scan3A_182, %reduce_sum3A_215 : i32
      %scan3A_217 = arith.constant 1 : i32
      %scan3A_218 = arith.addi %scan3A_181, %scan3A_217 : i32
      %mul3A_219 = arith.constant 16 : i32
      %mul3A_220 = arith.muli %scan3A_218, %mul3A_219 : i32
      %multiple_of3A_221 = tpu.assume_multiple %mul3A_220, 16 : i32
      %get3A_222 = arith.index_cast %multiple_of3A_221 : i32 to index
      %get3A_223 = tpu.vector_load %arg9[%get3A_222] {strides = array<i32>} : memref<256xi32, #tpu.memory_space<vmem>>, vector<16xi32>,
      %mul3A_224 = arith.constant 16 : i32
      %mul3A_225 = arith.muli %scan3A_218, %mul3A_224 : i32
      %multiple_of3A_226 = tpu.assume_multiple %mul3A_225, 16 : i32
      %get3A_227 = arith.index_cast %multiple_of3A_226 : i32 to index
      %get3A_228 = tpu.vector_load %arg10[%get3A_227] {strides = array<i32>} : memref<256xi32, #tpu.memory_space<vmem>>, vector<16xi32>,
      %gt3A_229 = arith.constant 0 : i32
      %gt3A_230 = vector.broadcast %gt3A_229 : i32 to vector<16xi32>
      %gt3A_231 = arith.cmpi sgt, %get3A_223, %gt3A_230 : vector<16xi32>
      %mul3A_232 = arith.constant 16 : i32
      %mul3A_233 = arith.muli %scan3A_218, %mul3A_232 : i32
      %add3A_234 = vector.broadcast %mul3A_233 : i32 to vector<16xi32>
      %add3A_235 = arith.addi %iota3A, %add3A_234 : vector<16xi32>
      %add3A_236 = vector.broadcast %mul3A_2 : i32 to vector<16xi32>
      %add3A_237 = arith.addi %add3A_235, %add3A_236 : vector<16xi32>
      %swap3A_238 = arith.index_cast %add3A_216 : i32 to index
      %swap3A_239 = tpu.vector_load %arg12[%swap3A_238] masked %gt3A_231 {strides = array<i32>} : memref<272xi32, #tpu.memory_space<vmem>>, vector<16xi32>, vector<16xi1>
      tpu.vector_store %arg12[%swap3A_238], %add3A_237 masked %gt3A_231 {strides = array<i32>} : memref<272xi32, #tpu.memory_space<vmem>>, vector<16xi32>, vector<16xi1>
      %swap3A_240 = arith.index_cast %add3A_216 : i32 to index
      %swap3A_241 = tpu.vector_load %arg13[%swap3A_240] masked %gt3A_231 {strides = array<i32>} : memref<272xi32, #tpu.memory_space<vmem>>, vector<16xi32>, vector<16xi1>
      tpu.vector_store %arg13[%swap3A_240], %get3A_228 masked %gt3A_231 {strides = array<i32>} : memref<272xi32, #tpu.memory_space<vmem>>, vector<16xi32>, vector<16xi1>
      %add3A_242 = arith.addi %get3A_228, %get3A_223 : vector<16xi32>
      %swap3A_243 = arith.index_cast %add3A_216 : i32 to index
      %swap3A_244 = tpu.vector_load %arg14[%swap3A_243] masked %gt3A_231 {strides = array<i32>} : memref<272xi32, #tpu.memory_space<vmem>>, vector<16xi32>, vector<16xi1>
      tpu.vector_store %arg14[%swap3A_243], %add3A_242 masked %gt3A_231 {strides = array<i32>} : memref<272xi32, #tpu.memory_space<vmem>>, vector<16xi32>, vector<16xi1>
      %jit3A_245 = arith.constant 1 : i32
      %jit3A_246 = arith.constant 0 : i32
      %broadcast_in_dim3A_247 = vector.broadcast %jit3A_245 : i32 to vector<16xi32>
      %broadcast_in_dim3A_248 = vector.broadcast %jit3A_246 : i32 to vector<16xi32>
      %select_n3A_249 = arith.select %gt3A_231, %broadcast_in_dim3A_247, %broadcast_in_dim3A_248 : vector<16xi1>, vector<16xi32>
      %reduce_sum3A_250 = arith.constant true
      %reduce_sum3A_251 = vector.broadcast %reduce_sum3A_250 : i1 to vector<16xi1>
      %reduce_sum3A_252 = tpu.scan <sum>, %select_n3A_249 masked %reduce_sum3A_251 : vector<16xi32>, vector<16xi1> -> vector<16xi32>
      %reduce_sum3A_253 = vector.extract %reduce_sum3A_252[15] : i32 from vector<16xi32>
      %add3A_254 = arith.addi %add3A_216, %reduce_sum3A_253 : i32
      scf.yield %add3A_254 : i32
    }
    %scan3A_122 = arith.constant 16 : i32
    %gt3A = arith.constant 0 : i32
    %gt3A_123 = arith.cmpi sgt, %scan3A_121, %gt3A : i32
    %convert_element_type3A = arith.extui %gt3A_123 : i1 to i32
    %cond3A = arith.constant 0 : i32
    %cond3A_124 = arith.cmpi ne, %convert_element_type3A, %cond3A : i32
    scf.if %cond3A_124 {
      %div3A = arith.constant 0 : i32
      %div3A_181 = arith.constant 16 : i32
      %div3A_182 = arith.divsi %div3A, %div3A_181 : i32
      %mul3A_183 = arith.constant 16 : i32
      %mul3A_184 = arith.muli %div3A_182, %mul3A_183 : i32
      %multiple_of3A = tpu.assume_multiple %mul3A_184, 16 : i32
      %get3A_185 = arith.index_cast %multiple_of3A : i32 to index
      %get3A_186 = tpu.vector_load %arg12[%get3A_185] {strides = array<i32>} : memref<272xi32, #tpu.memory_space<vmem>>, vector<16xi32>,
      %rem3A = arith.constant 0 : i32
      %rem3A_187 = arith.constant 16 : i32
      %rem3A_188 = arith.remsi %rem3A, %rem3A_187 : i32
      %eq3A = vector.broadcast %rem3A_188 : i32 to vector<16xi32>
      %eq3A_189 = arith.cmpi eq, %iota3A, %eq3A : vector<16xi32>
      %jit3A_190 = arith.constant 0 : i32
      %broadcast_in_dim3A_191 = vector.broadcast %jit3A_190 : i32 to vector<16xi32>
      %select_n3A_192 = arith.select %eq3A_189, %get3A_186, %broadcast_in_dim3A_191 : vector<16xi1>, vector<16xi32>
      %reduce_sum3A = arith.constant true
      %reduce_sum3A_193 = vector.broadcast %reduce_sum3A : i1 to vector<16xi1>
      %reduce_sum3A_194 = tpu.scan <sum>, %select_n3A_192 masked %reduce_sum3A_193 : vector<16xi32>, vector<16xi1> -> vector<16xi32>
      %reduce_sum3A_195 = vector.extract %reduce_sum3A_194[15] : i32 from vector<16xi32>
      %mul3A_196 = arith.constant 128 : i32
      %mul3A_197 = arith.muli %reduce_sum3A_195, %mul3A_196 : i32
      %rem3A_198 = arith.constant 0 : i32
      %rem3A_199 = arith.constant 8 : i32
      %rem3A_200 = arith.remsi %rem3A_198, %rem3A_199 : i32
      %lt3A_201 = arith.constant 999936 : i32
      %lt3A_202 = arith.cmpi slt, %mul3A_197, %lt3A_201 : i32
      %convert_element_type3A_203 = arith.extui %lt3A_202 : i1 to i32
      %cond3A_204 = arith.constant 0 : i32
      %cond3A_205 = arith.cmpi ne, %convert_element_type3A_203, %cond3A_204 : i32
      scf.if %cond3A_205 {
        %multiple_of3A_210 = tpu.assume_multiple %mul3A_197, 128 : i32
        %dma_start3A = arith.constant 0 : i32
        %dma_start3A_211 = arith.constant 0 : i32
        %dma_start3A_212 = tpu.memref_slice %arg15[%rem3A_200, %dma_start3A, %dma_start3A_211] : memref<8x64x128xf32, #tpu.memory_space<vmem>> -> memref<1x64x128xf32, #tpu.memory_space<vmem>>
        %dma_start3A_213 = tpu.memref_squeeze %dma_start3A_212 : memref<1x64x128xf32, #tpu.memory_space<vmem>> -> memref<64x128xf32, #tpu.memory_space<vmem>>
        %dma_start3A_214 = arith.constant 0 : i32
        %dma_start3A_215 = tpu.memref_slice %arg3[%dma_start3A_214, %multiple_of3A_210] : memref<64x1000000xf32, #tpu.memory_space<hbm>> -> memref<64x128xf32, #tpu.memory_space<hbm>>
        %dma_start3A_216 = arith.constant 0 : i32
        %dma_start3A_217 = arith.constant 0 : i32
        %dma_start3A_218 = tpu.memref_slice %arg15[%rem3A_200, %dma_start3A_216, %dma_start3A_217] : memref<8x64x128xf32, #tpu.memory_space<vmem>> -> memref<1x64x128xf32, #tpu.memory_space<vmem>>
        %dma_start3A_219 = tpu.memref_squeeze %dma_start3A_218 : memref<1x64x128xf32, #tpu.memory_space<vmem>> -> memref<64x128xf32, #tpu.memory_space<vmem>>
        %dma_start3A_220 = arith.constant 0 : i32
        %dma_start3A_221 = tpu.memref_slice %arg3[%dma_start3A_220, %multiple_of3A_210] : memref<64x1000000xf32, #tpu.memory_space<hbm>> -> memref<64x128xf32, #tpu.memory_space<hbm>>
        tpu.enqueue_dma source(%dma_start3A_221 : memref<64x128xf32, #tpu.memory_space<hbm>>) target(%dma_start3A_219 : memref<64x128xf32, #tpu.memory_space<vmem>>) target_semaphore(%arg17 : memref<!tpu.dma_semaphore, #tpu.memory_space<semaphore_mem>>)
      } else {
      }
      %ge3A = arith.constant 999936 : i32
      %ge3A_206 = arith.cmpi sge, %mul3A_197, %ge3A : i32
      %convert_element_type3A_207 = arith.extui %ge3A_206 : i1 to i32
      %cond3A_208 = arith.constant 0 : i32
      %cond3A_209 = arith.cmpi ne, %convert_element_type3A_207, %cond3A_208 : i32
      scf.if %cond3A_209 {
        %dma_start3A = arith.constant 0 : i32
        %dma_start3A_210 = arith.constant 0 : i32
        %dma_start3A_211 = tpu.memref_slice %arg15[%rem3A_200, %dma_start3A, %dma_start3A_210] : memref<8x64x128xf32, #tpu.memory_space<vmem>> -> memref<1x64x128xf32, #tpu.memory_space<vmem>>
        %dma_start3A_212 = tpu.memref_squeeze %dma_start3A_211 : memref<1x64x128xf32, #tpu.memory_space<vmem>> -> memref<64x128xf32, #tpu.memory_space<vmem>>
        %dma_start3A_213 = arith.constant 0 : i32
        %dma_start3A_214 = arith.constant 0 : i32
        %dma_start3A_215 = tpu.memref_slice %arg15[%rem3A_200, %dma_start3A_213, %dma_start3A_214] : memref<8x64x128xf32, #tpu.memory_space<vmem>> -> memref<1x64x128xf32, #tpu.memory_space<vmem>>
        %dma_start3A_216 = tpu.memref_squeeze %dma_start3A_215 : memref<1x64x128xf32, #tpu.memory_space<vmem>> -> memref<64x128xf32, #tpu.memory_space<vmem>>
        tpu.enqueue_dma source(%arg4 : memref<64x128xf32, #tpu.memory_space<hbm>>) target(%dma_start3A_216 : memref<64x128xf32, #tpu.memory_space<vmem>>) target_semaphore(%arg17 : memref<!tpu.dma_semaphore, #tpu.memory_space<semaphore_mem>>)
      } else {
      }
    } else {
    }
    %gt3A_125 = arith.constant 1 : i32
    %gt3A_126 = arith.cmpi sgt, %scan3A_121, %gt3A_125 : i32
    %convert_element_type3A_127 = arith.extui %gt3A_126 : i1 to i32
    %cond3A_128 = arith.constant 0 : i32
    %cond3A_129 = arith.cmpi ne, %convert_element_type3A_127, %cond3A_128 : i32
    scf.if %cond3A_129 {
      %div3A = arith.constant 1 : i32
      %div3A_181 = arith.constant 16 : i32
      %div3A_182 = arith.divsi %div3A, %div3A_181 : i32
      %mul3A_183 = arith.constant 16 : i32
      %mul3A_184 = arith.muli %div3A_182, %mul3A_183 : i32
      %multiple_of3A = tpu.assume_multiple %mul3A_184, 16 : i32
      %get3A_185 = arith.index_cast %multiple_of3A : i32 to index
      %get3A_186 = tpu.vector_load %arg12[%get3A_185] {strides = array<i32>} : memref<272xi32, #tpu.memory_space<vmem>>, vector<16xi32>,
      %rem3A = arith.constant 1 : i32
      %rem3A_187 = arith.constant 16 : i32
      %rem3A_188 = arith.remsi %rem3A, %rem3A_187 : i32
      %eq3A = vector.broadcast %rem3A_188 : i32 to vector<16xi32>
      %eq3A_189 = arith.cmpi eq, %iota3A, %eq3A : vector<16xi32>
      %jit3A_190 = arith.constant 0 : i32
      %broadcast_in_dim3A_191 = vector.broadcast %jit3A_190 : i32 to vector<16xi32>
      %select_n3A_192 = arith.select %eq3A_189, %get3A_186, %broadcast_in_dim3A_191 : vector<16xi1>, vector<16xi32>
      %reduce_sum3A = arith.constant true
      %reduce_sum3A_193 = vector.broadcast %reduce_sum3A : i1 to vector<16xi1>
      %reduce_sum3A_194 = tpu.scan <sum>, %select_n3A_192 masked %reduce_sum3A_193 : vector<16xi32>, vector<16xi1> -> vector<16xi32>
      %reduce_sum3A_195 = vector.extract %reduce_sum3A_194[15] : i32 from vector<16xi32>
      %mul3A_196 = arith.constant 128 : i32
      %mul3A_197 = arith.muli %reduce_sum3A_195, %mul3A_196 : i32
      %rem3A_198 = arith.constant 1 : i32
      %rem3A_199 = arith.constant 8 : i32
      %rem3A_200 = arith.remsi %rem3A_198, %rem3A_199 : i32
      %lt3A_201 = arith.constant 999936 : i32
      %lt3A_202 = arith.cmpi slt, %mul3A_197, %lt3A_201 : i32
      %convert_element_type3A_203 = arith.extui %lt3A_202 : i1 to i32
      %cond3A_204 = arith.constant 0 : i32
      %cond3A_205 = arith.cmpi ne, %convert_element_type3A_203, %cond3A_204 : i32
      scf.if %cond3A_205 {
        %multiple_of3A_210 = tpu.assume_multiple %mul3A_197, 128 : i32
        %dma_start3A = arith.constant 0 : i32
        %dma_start3A_211 = arith.constant 0 : i32
        %dma_start3A_212 = tpu.memref_slice %arg15[%rem3A_200, %dma_start3A, %dma_start3A_211] : memref<8x64x128xf32, #tpu.memory_space<vmem>> -> memref<1x64x128xf32, #tpu.memory_space<vmem>>
        %dma_start3A_213 = tpu.memref_squeeze %dma_start3A_212 : memref<1x64x128xf32, #tpu.memory_space<vmem>> -> memref<64x128xf32, #tpu.memory_space<vmem>>
        %dma_start3A_214 = arith.constant 0 : i32
        %dma_start3A_215 = tpu.memref_slice %arg3[%dma_start3A_214, %multiple_of3A_210] : memref<64x1000000xf32, #tpu.memory_space<hbm>> -> memref<64x128xf32, #tpu.memory_space<hbm>>
        %dma_start3A_216 = arith.constant 0 : i32
        %dma_start3A_217 = arith.constant 0 : i32
        %dma_start3A_218 = tpu.memref_slice %arg15[%rem3A_200, %dma_start3A_216, %dma_start3A_217] : memref<8x64x128xf32, #tpu.memory_space<vmem>> -> memref<1x64x128xf32, #tpu.memory_space<vmem>>
        %dma_start3A_219 = tpu.memref_squeeze %dma_start3A_218 : memref<1x64x128xf32, #tpu.memory_space<vmem>> -> memref<64x128xf32, #tpu.memory_space<vmem>>
        %dma_start3A_220 = arith.constant 0 : i32
        %dma_start3A_221 = tpu.memref_slice %arg3[%dma_start3A_220, %multiple_of3A_210] : memref<64x1000000xf32, #tpu.memory_space<hbm>> -> memref<64x128xf32, #tpu.memory_space<hbm>>
        tpu.enqueue_dma source(%dma_start3A_221 : memref<64x128xf32, #tpu.memory_space<hbm>>) target(%dma_start3A_219 : memref<64x128xf32, #tpu.memory_space<vmem>>) target_semaphore(%arg17 : memref<!tpu.dma_semaphore, #tpu.memory_space<semaphore_mem>>)
      } else {
      }
      %ge3A = arith.constant 999936 : i32
      %ge3A_206 = arith.cmpi sge, %mul3A_197, %ge3A : i32
      %convert_element_type3A_207 = arith.extui %ge3A_206 : i1 to i32
      %cond3A_208 = arith.constant 0 : i32
      %cond3A_209 = arith.cmpi ne, %convert_element_type3A_207, %cond3A_208 : i32
      scf.if %cond3A_209 {
        %dma_start3A = arith.constant 0 : i32
        %dma_start3A_210 = arith.constant 0 : i32
        %dma_start3A_211 = tpu.memref_slice %arg15[%rem3A_200, %dma_start3A, %dma_start3A_210] : memref<8x64x128xf32, #tpu.memory_space<vmem>> -> memref<1x64x128xf32, #tpu.memory_space<vmem>>
        %dma_start3A_212 = tpu.memref_squeeze %dma_start3A_211 : memref<1x64x128xf32, #tpu.memory_space<vmem>> -> memref<64x128xf32, #tpu.memory_space<vmem>>
        %dma_start3A_213 = arith.constant 0 : i32
        %dma_start3A_214 = arith.constant 0 : i32
        %dma_start3A_215 = tpu.memref_slice %arg15[%rem3A_200, %dma_start3A_213, %dma_start3A_214] : memref<8x64x128xf32, #tpu.memory_space<vmem>> -> memref<1x64x128xf32, #tpu.memory_space<vmem>>
        %dma_start3A_216 = tpu.memref_squeeze %dma_start3A_215 : memref<1x64x128xf32, #tpu.memory_space<vmem>> -> memref<64x128xf32, #tpu.memory_space<vmem>>
        tpu.enqueue_dma source(%arg4 : memref<64x128xf32, #tpu.memory_space<hbm>>) target(%dma_start3A_216 : memref<64x128xf32, #tpu.memory_space<vmem>>) target_semaphore(%arg17 : memref<!tpu.dma_semaphore, #tpu.memory_space<semaphore_mem>>)
      } else {
      }
    } else {
    }
    %gt3A_130 = arith.constant 2 : i32
    %gt3A_131 = arith.cmpi sgt, %scan3A_121, %gt3A_130 : i32
    %convert_element_type3A_132 = arith.extui %gt3A_131 : i1 to i32
    %cond3A_133 = arith.constant 0 : i32
    %cond3A_134 = arith.cmpi ne, %convert_element_type3A_132, %cond3A_133 : i32
    scf.if %cond3A_134 {
      %div3A = arith.constant 2 : i32
      %div3A_181 = arith.constant 16 : i32
      %div3A_182 = arith.divsi %div3A, %div3A_181 : i32
      %mul3A_183 = arith.constant 16 : i32
      %mul3A_184 = arith.muli %div3A_182, %mul3A_183 : i32
      %multiple_of3A = tpu.assume_multiple %mul3A_184, 16 : i32
      %get3A_185 = arith.index_cast %multiple_of3A : i32 to index
      %get3A_186 = tpu.vector_load %arg12[%get3A_185] {strides = array<i32>} : memref<272xi32, #tpu.memory_space<vmem>>, vector<16xi32>,
      %rem3A = arith.constant 2 : i32
      %rem3A_187 = arith.constant 16 : i32
      %rem3A_188 = arith.remsi %rem3A, %rem3A_187 : i32
      %eq3A = vector.broadcast %rem3A_188 : i32 to vector<16xi32>
      %eq3A_189 = arith.cmpi eq, %iota3A, %eq3A : vector<16xi32>
      %jit3A_190 = arith.constant 0 : i32
      %broadcast_in_dim3A_191 = vector.broadcast %jit3A_190 : i32 to vector<16xi32>
      %select_n3A_192 = arith.select %eq3A_189, %get3A_186, %broadcast_in_dim3A_191 : vector<16xi1>, vector<16xi32>
      %reduce_sum3A = arith.constant true
      %reduce_sum3A_193 = vector.broadcast %reduce_sum3A : i1 to vector<16xi1>
      %reduce_sum3A_194 = tpu.scan <sum>, %select_n3A_192 masked %reduce_sum3A_193 : vector<16xi32>, vector<16xi1> -> vector<16xi32>
      %reduce_sum3A_195 = vector.extract %reduce_sum3A_194[15] : i32 from vector<16xi32>
      %mul3A_196 = arith.constant 128 : i32
      %mul3A_197 = arith.muli %reduce_sum3A_195, %mul3A_196 : i32
      %rem3A_198 = arith.constant 2 : i32
      %rem3A_199 = arith.constant 8 : i32
      %rem3A_200 = arith.remsi %rem3A_198, %rem3A_199 : i32
      %lt3A_201 = arith.constant 999936 : i32
      %lt3A_202 = arith.cmpi slt, %mul3A_197, %lt3A_201 : i32
      %convert_element_type3A_203 = arith.extui %lt3A_202 : i1 to i32
      %cond3A_204 = arith.constant 0 : i32
      %cond3A_205 = arith.cmpi ne, %convert_element_type3A_203, %cond3A_204 : i32
      scf.if %cond3A_205 {
        %multiple_of3A_210 = tpu.assume_multiple %mul3A_197, 128 : i32
        %dma_start3A = arith.constant 0 : i32
        %dma_start3A_211 = arith.constant 0 : i32
        %dma_start3A_212 = tpu.memref_slice %arg15[%rem3A_200, %dma_start3A, %dma_start3A_211] : memref<8x64x128xf32, #tpu.memory_space<vmem>> -> memref<1x64x128xf32, #tpu.memory_space<vmem>>
        %dma_start3A_213 = tpu.memref_squeeze %dma_start3A_212 : memref<1x64x128xf32, #tpu.memory_space<vmem>> -> memref<64x128xf32, #tpu.memory_space<vmem>>
        %dma_start3A_214 = arith.constant 0 : i32
        %dma_start3A_215 = tpu.memref_slice %arg3[%dma_start3A_214, %multiple_of3A_210] : memref<64x1000000xf32, #tpu.memory_space<hbm>> -> memref<64x128xf32, #tpu.memory_space<hbm>>
        %dma_start3A_216 = arith.constant 0 : i32
        %dma_start3A_217 = arith.constant 0 : i32
        %dma_start3A_218 = tpu.memref_slice %arg15[%rem3A_200, %dma_start3A_216, %dma_start3A_217] : memref<8x64x128xf32, #tpu.memory_space<vmem>> -> memref<1x64x128xf32, #tpu.memory_space<vmem>>
        %dma_start3A_219 = tpu.memref_squeeze %dma_start3A_218 : memref<1x64x128xf32, #tpu.memory_space<vmem>> -> memref<64x128xf32, #tpu.memory_space<vmem>>
        %dma_start3A_220 = arith.constant 0 : i32
        %dma_start3A_221 = tpu.memref_slice %arg3[%dma_start3A_220, %multiple_of3A_210] : memref<64x1000000xf32, #tpu.memory_space<hbm>> -> memref<64x128xf32, #tpu.memory_space<hbm>>
        tpu.enqueue_dma source(%dma_start3A_221 : memref<64x128xf32, #tpu.memory_space<hbm>>) target(%dma_start3A_219 : memref<64x128xf32, #tpu.memory_space<vmem>>) target_semaphore(%arg17 : memref<!tpu.dma_semaphore, #tpu.memory_space<semaphore_mem>>)
      } else {
      }
      %ge3A = arith.constant 999936 : i32
      %ge3A_206 = arith.cmpi sge, %mul3A_197, %ge3A : i32
      %convert_element_type3A_207 = arith.extui %ge3A_206 : i1 to i32
      %cond3A_208 = arith.constant 0 : i32
      %cond3A_209 = arith.cmpi ne, %convert_element_type3A_207, %cond3A_208 : i32
      scf.if %cond3A_209 {
        %dma_start3A = arith.constant 0 : i32
        %dma_start3A_210 = arith.constant 0 : i32
        %dma_start3A_211 = tpu.memref_slice %arg15[%rem3A_200, %dma_start3A, %dma_start3A_210] : memref<8x64x128xf32, #tpu.memory_space<vmem>> -> memref<1x64x128xf32, #tpu.memory_space<vmem>>
        %dma_start3A_212 = tpu.memref_squeeze %dma_start3A_211 : memref<1x64x128xf32, #tpu.memory_space<vmem>> -> memref<64x128xf32, #tpu.memory_space<vmem>>
        %dma_start3A_213 = arith.constant 0 : i32
        %dma_start3A_214 = arith.constant 0 : i32
        %dma_start3A_215 = tpu.memref_slice %arg15[%rem3A_200, %dma_start3A_213, %dma_start3A_214] : memref<8x64x128xf32, #tpu.memory_space<vmem>> -> memref<1x64x128xf32, #tpu.memory_space<vmem>>
        %dma_start3A_216 = tpu.memref_squeeze %dma_start3A_215 : memref<1x64x128xf32, #tpu.memory_space<vmem>> -> memref<64x128xf32, #tpu.memory_space<vmem>>
        tpu.enqueue_dma source(%arg4 : memref<64x128xf32, #tpu.memory_space<hbm>>) target(%dma_start3A_216 : memref<64x128xf32, #tpu.memory_space<vmem>>) target_semaphore(%arg17 : memref<!tpu.dma_semaphore, #tpu.memory_space<semaphore_mem>>)
      } else {
      }
    } else {
    }
    %gt3A_135 = arith.constant 3 : i32
    %gt3A_136 = arith.cmpi sgt, %scan3A_121, %gt3A_135 : i32
    %convert_element_type3A_137 = arith.extui %gt3A_136 : i1 to i32
    %cond3A_138 = arith.constant 0 : i32
    %cond3A_139 = arith.cmpi ne, %convert_element_type3A_137, %cond3A_138 : i32
    scf.if %cond3A_139 {
      %div3A = arith.constant 3 : i32
      %div3A_181 = arith.constant 16 : i32
      %div3A_182 = arith.divsi %div3A, %div3A_181 : i32
      %mul3A_183 = arith.constant 16 : i32
      %mul3A_184 = arith.muli %div3A_182, %mul3A_183 : i32
      %multiple_of3A = tpu.assume_multiple %mul3A_184, 16 : i32
      %get3A_185 = arith.index_cast %multiple_of3A : i32 to index
      %get3A_186 = tpu.vector_load %arg12[%get3A_185] {strides = array<i32>} : memref<272xi32, #tpu.memory_space<vmem>>, vector<16xi32>,
      %rem3A = arith.constant 3 : i32
      %rem3A_187 = arith.constant 16 : i32
      %rem3A_188 = arith.remsi %rem3A, %rem3A_187 : i32
      %eq3A = vector.broadcast %rem3A_188 : i32 to vector<16xi32>
      %eq3A_189 = arith.cmpi eq, %iota3A, %eq3A : vector<16xi32>
      %jit3A_190 = arith.constant 0 : i32
      %broadcast_in_dim3A_191 = vector.broadcast %jit3A_190 : i32 to vector<16xi32>
      %select_n3A_192 = arith.select %eq3A_189, %get3A_186, %broadcast_in_dim3A_191 : vector<16xi1>, vector<16xi32>
      %reduce_sum3A = arith.constant true
      %reduce_sum3A_193 = vector.broadcast %reduce_sum3A : i1 to vector<16xi1>
      %reduce_sum3A_194 = tpu.scan <sum>, %select_n3A_192 masked %reduce_sum3A_193 : vector<16xi32>, vector<16xi1> -> vector<16xi32>
      %reduce_sum3A_195 = vector.extract %reduce_sum3A_194[15] : i32 from vector<16xi32>
      %mul3A_196 = arith.constant 128 : i32
      %mul3A_197 = arith.muli %reduce_sum3A_195, %mul3A_196 : i32
      %rem3A_198 = arith.constant 3 : i32
      %rem3A_199 = arith.constant 8 : i32
      %rem3A_200 = arith.remsi %rem3A_198, %rem3A_199 : i32
      %lt3A_201 = arith.constant 999936 : i32
      %lt3A_202 = arith.cmpi slt, %mul3A_197, %lt3A_201 : i32
      %convert_element_type3A_203 = arith.extui %lt3A_202 : i1 to i32
      %cond3A_204 = arith.constant 0 : i32
      %cond3A_205 = arith.cmpi ne, %convert_element_type3A_203, %cond3A_204 : i32
      scf.if %cond3A_205 {
        %multiple_of3A_210 = tpu.assume_multiple %mul3A_197, 128 : i32
        %dma_start3A = arith.constant 0 : i32
        %dma_start3A_211 = arith.constant 0 : i32
        %dma_start3A_212 = tpu.memref_slice %arg15[%rem3A_200, %dma_start3A, %dma_start3A_211] : memref<8x64x128xf32, #tpu.memory_space<vmem>> -> memref<1x64x128xf32, #tpu.memory_space<vmem>>
        %dma_start3A_213 = tpu.memref_squeeze %dma_start3A_212 : memref<1x64x128xf32, #tpu.memory_space<vmem>> -> memref<64x128xf32, #tpu.memory_space<vmem>>
        %dma_start3A_214 = arith.constant 0 : i32
        %dma_start3A_215 = tpu.memref_slice %arg3[%dma_start3A_214, %multiple_of3A_210] : memref<64x1000000xf32, #tpu.memory_space<hbm>> -> memref<64x128xf32, #tpu.memory_space<hbm>>
        %dma_start3A_216 = arith.constant 0 : i32
        %dma_start3A_217 = arith.constant 0 : i32
        %dma_start3A_218 = tpu.memref_slice %arg15[%rem3A_200, %dma_start3A_216, %dma_start3A_217] : memref<8x64x128xf32, #tpu.memory_space<vmem>> -> memref<1x64x128xf32, #tpu.memory_space<vmem>>
        %dma_start3A_219 = tpu.memref_squeeze %dma_start3A_218 : memref<1x64x128xf32, #tpu.memory_space<vmem>> -> memref<64x128xf32, #tpu.memory_space<vmem>>
        %dma_start3A_220 = arith.constant 0 : i32
        %dma_start3A_221 = tpu.memref_slice %arg3[%dma_start3A_220, %multiple_of3A_210] : memref<64x1000000xf32, #tpu.memory_space<hbm>> -> memref<64x128xf32, #tpu.memory_space<hbm>>
        tpu.enqueue_dma source(%dma_start3A_221 : memref<64x128xf32, #tpu.memory_space<hbm>>) target(%dma_start3A_219 : memref<64x128xf32, #tpu.memory_space<vmem>>) target_semaphore(%arg17 : memref<!tpu.dma_semaphore, #tpu.memory_space<semaphore_mem>>)
      } else {
      }
      %ge3A = arith.constant 999936 : i32
      %ge3A_206 = arith.cmpi sge, %mul3A_197, %ge3A : i32
      %convert_element_type3A_207 = arith.extui %ge3A_206 : i1 to i32
      %cond3A_208 = arith.constant 0 : i32
      %cond3A_209 = arith.cmpi ne, %convert_element_type3A_207, %cond3A_208 : i32
      scf.if %cond3A_209 {
        %dma_start3A = arith.constant 0 : i32
        %dma_start3A_210 = arith.constant 0 : i32
        %dma_start3A_211 = tpu.memref_slice %arg15[%rem3A_200, %dma_start3A, %dma_start3A_210] : memref<8x64x128xf32, #tpu.memory_space<vmem>> -> memref<1x64x128xf32, #tpu.memory_space<vmem>>
        %dma_start3A_212 = tpu.memref_squeeze %dma_start3A_211 : memref<1x64x128xf32, #tpu.memory_space<vmem>> -> memref<64x128xf32, #tpu.memory_space<vmem>>
        %dma_start3A_213 = arith.constant 0 : i32
        %dma_start3A_214 = arith.constant 0 : i32
        %dma_start3A_215 = tpu.memref_slice %arg15[%rem3A_200, %dma_start3A_213, %dma_start3A_214] : memref<8x64x128xf32, #tpu.memory_space<vmem>> -> memref<1x64x128xf32, #tpu.memory_space<vmem>>
        %dma_start3A_216 = tpu.memref_squeeze %dma_start3A_215 : memref<1x64x128xf32, #tpu.memory_space<vmem>> -> memref<64x128xf32, #tpu.memory_space<vmem>>
        tpu.enqueue_dma source(%arg4 : memref<64x128xf32, #tpu.memory_space<hbm>>) target(%dma_start3A_216 : memref<64x128xf32, #tpu.memory_space<vmem>>) target_semaphore(%arg17 : memref<!tpu.dma_semaphore, #tpu.memory_space<semaphore_mem>>)
      } else {
      }
    } else {
    }
    %gt3A_140 = arith.constant 4 : i32
    %gt3A_141 = arith.cmpi sgt, %scan3A_121, %gt3A_140 : i32
    %convert_element_type3A_142 = arith.extui %gt3A_141 : i1 to i32
    %cond3A_143 = arith.constant 0 : i32
    %cond3A_144 = arith.cmpi ne, %convert_element_type3A_142, %cond3A_143 : i32
    scf.if %cond3A_144 {
      %div3A = arith.constant 4 : i32
      %div3A_181 = arith.constant 16 : i32
      %div3A_182 = arith.divsi %div3A, %div3A_181 : i32
      %mul3A_183 = arith.constant 16 : i32
      %mul3A_184 = arith.muli %div3A_182, %mul3A_183 : i32
      %multiple_of3A = tpu.assume_multiple %mul3A_184, 16 : i32
      %get3A_185 = arith.index_cast %multiple_of3A : i32 to index
      %get3A_186 = tpu.vector_load %arg12[%get3A_185] {strides = array<i32>} : memref<272xi32, #tpu.memory_space<vmem>>, vector<16xi32>,
      %rem3A = arith.constant 4 : i32
      %rem3A_187 = arith.constant 16 : i32
      %rem3A_188 = arith.remsi %rem3A, %rem3A_187 : i32
      %eq3A = vector.broadcast %rem3A_188 : i32 to vector<16xi32>
      %eq3A_189 = arith.cmpi eq, %iota3A, %eq3A : vector<16xi32>
      %jit3A_190 = arith.constant 0 : i32
      %broadcast_in_dim3A_191 = vector.broadcast %jit3A_190 : i32 to vector<16xi32>
      %select_n3A_192 = arith.select %eq3A_189, %get3A_186, %broadcast_in_dim3A_191 : vector<16xi1>, vector<16xi32>
      %reduce_sum3A = arith.constant true
      %reduce_sum3A_193 = vector.broadcast %reduce_sum3A : i1 to vector<16xi1>
      %reduce_sum3A_194 = tpu.scan <sum>, %select_n3A_192 masked %reduce_sum3A_193 : vector<16xi32>, vector<16xi1> -> vector<16xi32>
      %reduce_sum3A_195 = vector.extract %reduce_sum3A_194[15] : i32 from vector<16xi32>
      %mul3A_196 = arith.constant 128 : i32
      %mul3A_197 = arith.muli %reduce_sum3A_195, %mul3A_196 : i32
      %rem3A_198 = arith.constant 4 : i32
      %rem3A_199 = arith.constant 8 : i32
      %rem3A_200 = arith.remsi %rem3A_198, %rem3A_199 : i32
      %lt3A_201 = arith.constant 999936 : i32
      %lt3A_202 = arith.cmpi slt, %mul3A_197, %lt3A_201 : i32
      %convert_element_type3A_203 = arith.extui %lt3A_202 : i1 to i32
      %cond3A_204 = arith.constant 0 : i32
      %cond3A_205 = arith.cmpi ne, %convert_element_type3A_203, %cond3A_204 : i32
      scf.if %cond3A_205 {
        %multiple_of3A_210 = tpu.assume_multiple %mul3A_197, 128 : i32
        %dma_start3A = arith.constant 0 : i32
        %dma_start3A_211 = arith.constant 0 : i32
        %dma_start3A_212 = tpu.memref_slice %arg15[%rem3A_200, %dma_start3A, %dma_start3A_211] : memref<8x64x128xf32, #tpu.memory_space<vmem>> -> memref<1x64x128xf32, #tpu.memory_space<vmem>>
        %dma_start3A_213 = tpu.memref_squeeze %dma_start3A_212 : memref<1x64x128xf32, #tpu.memory_space<vmem>> -> memref<64x128xf32, #tpu.memory_space<vmem>>
        %dma_start3A_214 = arith.constant 0 : i32
        %dma_start3A_215 = tpu.memref_slice %arg3[%dma_start3A_214, %multiple_of3A_210] : memref<64x1000000xf32, #tpu.memory_space<hbm>> -> memref<64x128xf32, #tpu.memory_space<hbm>>
        %dma_start3A_216 = arith.constant 0 : i32
        %dma_start3A_217 = arith.constant 0 : i32
        %dma_start3A_218 = tpu.memref_slice %arg15[%rem3A_200, %dma_start3A_216, %dma_start3A_217] : memref<8x64x128xf32, #tpu.memory_space<vmem>> -> memref<1x64x128xf32, #tpu.memory_space<vmem>>
        %dma_start3A_219 = tpu.memref_squeeze %dma_start3A_218 : memref<1x64x128xf32, #tpu.memory_space<vmem>> -> memref<64x128xf32, #tpu.memory_space<vmem>>
        %dma_start3A_220 = arith.constant 0 : i32
        %dma_start3A_221 = tpu.memref_slice %arg3[%dma_start3A_220, %multiple_of3A_210] : memref<64x1000000xf32, #tpu.memory_space<hbm>> -> memref<64x128xf32, #tpu.memory_space<hbm>>
        tpu.enqueue_dma source(%dma_start3A_221 : memref<64x128xf32, #tpu.memory_space<hbm>>) target(%dma_start3A_219 : memref<64x128xf32, #tpu.memory_space<vmem>>) target_semaphore(%arg17 : memref<!tpu.dma_semaphore, #tpu.memory_space<semaphore_mem>>)
      } else {
      }
      %ge3A = arith.constant 999936 : i32
      %ge3A_206 = arith.cmpi sge, %mul3A_197, %ge3A : i32
      %convert_element_type3A_207 = arith.extui %ge3A_206 : i1 to i32
      %cond3A_208 = arith.constant 0 : i32
      %cond3A_209 = arith.cmpi ne, %convert_element_type3A_207, %cond3A_208 : i32
      scf.if %cond3A_209 {
        %dma_start3A = arith.constant 0 : i32
        %dma_start3A_210 = arith.constant 0 : i32
        %dma_start3A_211 = tpu.memref_slice %arg15[%rem3A_200, %dma_start3A, %dma_start3A_210] : memref<8x64x128xf32, #tpu.memory_space<vmem>> -> memref<1x64x128xf32, #tpu.memory_space<vmem>>
        %dma_start3A_212 = tpu.memref_squeeze %dma_start3A_211 : memref<1x64x128xf32, #tpu.memory_space<vmem>> -> memref<64x128xf32, #tpu.memory_space<vmem>>
        %dma_start3A_213 = arith.constant 0 : i32
        %dma_start3A_214 = arith.constant 0 : i32
        %dma_start3A_215 = tpu.memref_slice %arg15[%rem3A_200, %dma_start3A_213, %dma_start3A_214] : memref<8x64x128xf32, #tpu.memory_space<vmem>> -> memref<1x64x128xf32, #tpu.memory_space<vmem>>
        %dma_start3A_216 = tpu.memref_squeeze %dma_start3A_215 : memref<1x64x128xf32, #tpu.memory_space<vmem>> -> memref<64x128xf32, #tpu.memory_space<vmem>>
        tpu.enqueue_dma source(%arg4 : memref<64x128xf32, #tpu.memory_space<hbm>>) target(%dma_start3A_216 : memref<64x128xf32, #tpu.memory_space<vmem>>) target_semaphore(%arg17 : memref<!tpu.dma_semaphore, #tpu.memory_space<semaphore_mem>>)
      } else {
      }
    } else {
    }
    %gt3A_145 = arith.constant 5 : i32
    %gt3A_146 = arith.cmpi sgt, %scan3A_121, %gt3A_145 : i32
    %convert_element_type3A_147 = arith.extui %gt3A_146 : i1 to i32
    %cond3A_148 = arith.constant 0 : i32
    %cond3A_149 = arith.cmpi ne, %convert_element_type3A_147, %cond3A_148 : i32
    scf.if %cond3A_149 {
      %div3A = arith.constant 5 : i32
      %div3A_181 = arith.constant 16 : i32
      %div3A_182 = arith.divsi %div3A, %div3A_181 : i32
      %mul3A_183 = arith.constant 16 : i32
      %mul3A_184 = arith.muli %div3A_182, %mul3A_183 : i32
      %multiple_of3A = tpu.assume_multiple %mul3A_184, 16 : i32
      %get3A_185 = arith.index_cast %multiple_of3A : i32 to index
      %get3A_186 = tpu.vector_load %arg12[%get3A_185] {strides = array<i32>} : memref<272xi32, #tpu.memory_space<vmem>>, vector<16xi32>,
      %rem3A = arith.constant 5 : i32
      %rem3A_187 = arith.constant 16 : i32
      %rem3A_188 = arith.remsi %rem3A, %rem3A_187 : i32
      %eq3A = vector.broadcast %rem3A_188 : i32 to vector<16xi32>
      %eq3A_189 = arith.cmpi eq, %iota3A, %eq3A : vector<16xi32>
      %jit3A_190 = arith.constant 0 : i32
      %broadcast_in_dim3A_191 = vector.broadcast %jit3A_190 : i32 to vector<16xi32>
      %select_n3A_192 = arith.select %eq3A_189, %get3A_186, %broadcast_in_dim3A_191 : vector<16xi1>, vector<16xi32>
      %reduce_sum3A = arith.constant true
      %reduce_sum3A_193 = vector.broadcast %reduce_sum3A : i1 to vector<16xi1>
      %reduce_sum3A_194 = tpu.scan <sum>, %select_n3A_192 masked %reduce_sum3A_193 : vector<16xi32>, vector<16xi1> -> vector<16xi32>
      %reduce_sum3A_195 = vector.extract %reduce_sum3A_194[15] : i32 from vector<16xi32>
      %mul3A_196 = arith.constant 128 : i32
      %mul3A_197 = arith.muli %reduce_sum3A_195, %mul3A_196 : i32
      %rem3A_198 = arith.constant 5 : i32
      %rem3A_199 = arith.constant 8 : i32
      %rem3A_200 = arith.remsi %rem3A_198, %rem3A_199 : i32
      %lt3A_201 = arith.constant 999936 : i32
      %lt3A_202 = arith.cmpi slt, %mul3A_197, %lt3A_201 : i32
      %convert_element_type3A_203 = arith.extui %lt3A_202 : i1 to i32
      %cond3A_204 = arith.constant 0 : i32
      %cond3A_205 = arith.cmpi ne, %convert_element_type3A_203, %cond3A_204 : i32
      scf.if %cond3A_205 {
        %multiple_of3A_210 = tpu.assume_multiple %mul3A_197, 128 : i32
        %dma_start3A = arith.constant 0 : i32
        %dma_start3A_211 = arith.constant 0 : i32
        %dma_start3A_212 = tpu.memref_slice %arg15[%rem3A_200, %dma_start3A, %dma_start3A_211] : memref<8x64x128xf32, #tpu.memory_space<vmem>> -> memref<1x64x128xf32, #tpu.memory_space<vmem>>
        %dma_start3A_213 = tpu.memref_squeeze %dma_start3A_212 : memref<1x64x128xf32, #tpu.memory_space<vmem>> -> memref<64x128xf32, #tpu.memory_space<vmem>>
        %dma_start3A_214 = arith.constant 0 : i32
        %dma_start3A_215 = tpu.memref_slice %arg3[%dma_start3A_214, %multiple_of3A_210] : memref<64x1000000xf32, #tpu.memory_space<hbm>> -> memref<64x128xf32, #tpu.memory_space<hbm>>
        %dma_start3A_216 = arith.constant 0 : i32
        %dma_start3A_217 = arith.constant 0 : i32
        %dma_start3A_218 = tpu.memref_slice %arg15[%rem3A_200, %dma_start3A_216, %dma_start3A_217] : memref<8x64x128xf32, #tpu.memory_space<vmem>> -> memref<1x64x128xf32, #tpu.memory_space<vmem>>
        %dma_start3A_219 = tpu.memref_squeeze %dma_start3A_218 : memref<1x64x128xf32, #tpu.memory_space<vmem>> -> memref<64x128xf32, #tpu.memory_space<vmem>>
        %dma_start3A_220 = arith.constant 0 : i32
        %dma_start3A_221 = tpu.memref_slice %arg3[%dma_start3A_220, %multiple_of3A_210] : memref<64x1000000xf32, #tpu.memory_space<hbm>> -> memref<64x128xf32, #tpu.memory_space<hbm>>
        tpu.enqueue_dma source(%dma_start3A_221 : memref<64x128xf32, #tpu.memory_space<hbm>>) target(%dma_start3A_219 : memref<64x128xf32, #tpu.memory_space<vmem>>) target_semaphore(%arg17 : memref<!tpu.dma_semaphore, #tpu.memory_space<semaphore_mem>>)
      } else {
      }
      %ge3A = arith.constant 999936 : i32
      %ge3A_206 = arith.cmpi sge, %mul3A_197, %ge3A : i32
      %convert_element_type3A_207 = arith.extui %ge3A_206 : i1 to i32
      %cond3A_208 = arith.constant 0 : i32
      %cond3A_209 = arith.cmpi ne, %convert_element_type3A_207, %cond3A_208 : i32
      scf.if %cond3A_209 {
        %dma_start3A = arith.constant 0 : i32
        %dma_start3A_210 = arith.constant 0 : i32
        %dma_start3A_211 = tpu.memref_slice %arg15[%rem3A_200, %dma_start3A, %dma_start3A_210] : memref<8x64x128xf32, #tpu.memory_space<vmem>> -> memref<1x64x128xf32, #tpu.memory_space<vmem>>
        %dma_start3A_212 = tpu.memref_squeeze %dma_start3A_211 : memref<1x64x128xf32, #tpu.memory_space<vmem>> -> memref<64x128xf32, #tpu.memory_space<vmem>>
        %dma_start3A_213 = arith.constant 0 : i32
        %dma_start3A_214 = arith.constant 0 : i32
        %dma_start3A_215 = tpu.memref_slice %arg15[%rem3A_200, %dma_start3A_213, %dma_start3A_214] : memref<8x64x128xf32, #tpu.memory_space<vmem>> -> memref<1x64x128xf32, #tpu.memory_space<vmem>>
        %dma_start3A_216 = tpu.memref_squeeze %dma_start3A_215 : memref<1x64x128xf32, #tpu.memory_space<vmem>> -> memref<64x128xf32, #tpu.memory_space<vmem>>
        tpu.enqueue_dma source(%arg4 : memref<64x128xf32, #tpu.memory_space<hbm>>) target(%dma_start3A_216 : memref<64x128xf32, #tpu.memory_space<vmem>>) target_semaphore(%arg17 : memref<!tpu.dma_semaphore, #tpu.memory_space<semaphore_mem>>)
      } else {
      }
    } else {
    }
    %gt3A_150 = arith.constant 6 : i32
    %gt3A_151 = arith.cmpi sgt, %scan3A_121, %gt3A_150 : i32
    %convert_element_type3A_152 = arith.extui %gt3A_151 : i1 to i32
    %cond3A_153 = arith.constant 0 : i32
    %cond3A_154 = arith.cmpi ne, %convert_element_type3A_152, %cond3A_153 : i32
    scf.if %cond3A_154 {
      %div3A = arith.constant 6 : i32
      %div3A_181 = arith.constant 16 : i32
      %div3A_182 = arith.divsi %div3A, %div3A_181 : i32
      %mul3A_183 = arith.constant 16 : i32
      %mul3A_184 = arith.muli %div3A_182, %mul3A_183 : i32
      %multiple_of3A = tpu.assume_multiple %mul3A_184, 16 : i32
      %get3A_185 = arith.index_cast %multiple_of3A : i32 to index
      %get3A_186 = tpu.vector_load %arg12[%get3A_185] {strides = array<i32>} : memref<272xi32, #tpu.memory_space<vmem>>, vector<16xi32>,
      %rem3A = arith.constant 6 : i32
      %rem3A_187 = arith.constant 16 : i32
      %rem3A_188 = arith.remsi %rem3A, %rem3A_187 : i32
      %eq3A = vector.broadcast %rem3A_188 : i32 to vector<16xi32>
      %eq3A_189 = arith.cmpi eq, %iota3A, %eq3A : vector<16xi32>
      %jit3A_190 = arith.constant 0 : i32
      %broadcast_in_dim3A_191 = vector.broadcast %jit3A_190 : i32 to vector<16xi32>
      %select_n3A_192 = arith.select %eq3A_189, %get3A_186, %broadcast_in_dim3A_191 : vector<16xi1>, vector<16xi32>
      %reduce_sum3A = arith.constant true
      %reduce_sum3A_193 = vector.broadcast %reduce_sum3A : i1 to vector<16xi1>
      %reduce_sum3A_194 = tpu.scan <sum>, %select_n3A_192 masked %reduce_sum3A_193 : vector<16xi32>, vector<16xi1> -> vector<16xi32>
      %reduce_sum3A_195 = vector.extract %reduce_sum3A_194[15] : i32 from vector<16xi32>
      %mul3A_196 = arith.constant 128 : i32
      %mul3A_197 = arith.muli %reduce_sum3A_195, %mul3A_196 : i32
      %rem3A_198 = arith.constant 6 : i32
      %rem3A_199 = arith.constant 8 : i32
      %rem3A_200 = arith.remsi %rem3A_198, %rem3A_199 : i32
      %lt3A_201 = arith.constant 999936 : i32
      %lt3A_202 = arith.cmpi slt, %mul3A_197, %lt3A_201 : i32
      %convert_element_type3A_203 = arith.extui %lt3A_202 : i1 to i32
      %cond3A_204 = arith.constant 0 : i32
      %cond3A_205 = arith.cmpi ne, %convert_element_type3A_203, %cond3A_204 : i32
      scf.if %cond3A_205 {
        %multiple_of3A_210 = tpu.assume_multiple %mul3A_197, 128 : i32
        %dma_start3A = arith.constant 0 : i32
        %dma_start3A_211 = arith.constant 0 : i32
        %dma_start3A_212 = tpu.memref_slice %arg15[%rem3A_200, %dma_start3A, %dma_start3A_211] : memref<8x64x128xf32, #tpu.memory_space<vmem>> -> memref<1x64x128xf32, #tpu.memory_space<vmem>>
        %dma_start3A_213 = tpu.memref_squeeze %dma_start3A_212 : memref<1x64x128xf32, #tpu.memory_space<vmem>> -> memref<64x128xf32, #tpu.memory_space<vmem>>
        %dma_start3A_214 = arith.constant 0 : i32
        %dma_start3A_215 = tpu.memref_slice %arg3[%dma_start3A_214, %multiple_of3A_210] : memref<64x1000000xf32, #tpu.memory_space<hbm>> -> memref<64x128xf32, #tpu.memory_space<hbm>>
        %dma_start3A_216 = arith.constant 0 : i32
        %dma_start3A_217 = arith.constant 0 : i32
        %dma_start3A_218 = tpu.memref_slice %arg15[%rem3A_200, %dma_start3A_216, %dma_start3A_217] : memref<8x64x128xf32, #tpu.memory_space<vmem>> -> memref<1x64x128xf32, #tpu.memory_space<vmem>>
        %dma_start3A_219 = tpu.memref_squeeze %dma_start3A_218 : memref<1x64x128xf32, #tpu.memory_space<vmem>> -> memref<64x128xf32, #tpu.memory_space<vmem>>
        %dma_start3A_220 = arith.constant 0 : i32
        %dma_start3A_221 = tpu.memref_slice %arg3[%dma_start3A_220, %multiple_of3A_210] : memref<64x1000000xf32, #tpu.memory_space<hbm>> -> memref<64x128xf32, #tpu.memory_space<hbm>>
        tpu.enqueue_dma source(%dma_start3A_221 : memref<64x128xf32, #tpu.memory_space<hbm>>) target(%dma_start3A_219 : memref<64x128xf32, #tpu.memory_space<vmem>>) target_semaphore(%arg17 : memref<!tpu.dma_semaphore, #tpu.memory_space<semaphore_mem>>)
      } else {
      }
      %ge3A = arith.constant 999936 : i32
      %ge3A_206 = arith.cmpi sge, %mul3A_197, %ge3A : i32
      %convert_element_type3A_207 = arith.extui %ge3A_206 : i1 to i32
      %cond3A_208 = arith.constant 0 : i32
      %cond3A_209 = arith.cmpi ne, %convert_element_type3A_207, %cond3A_208 : i32
      scf.if %cond3A_209 {
        %dma_start3A = arith.constant 0 : i32
        %dma_start3A_210 = arith.constant 0 : i32
        %dma_start3A_211 = tpu.memref_slice %arg15[%rem3A_200, %dma_start3A, %dma_start3A_210] : memref<8x64x128xf32, #tpu.memory_space<vmem>> -> memref<1x64x128xf32, #tpu.memory_space<vmem>>
        %dma_start3A_212 = tpu.memref_squeeze %dma_start3A_211 : memref<1x64x128xf32, #tpu.memory_space<vmem>> -> memref<64x128xf32, #tpu.memory_space<vmem>>
        %dma_start3A_213 = arith.constant 0 : i32
        %dma_start3A_214 = arith.constant 0 : i32
        %dma_start3A_215 = tpu.memref_slice %arg15[%rem3A_200, %dma_start3A_213, %dma_start3A_214] : memref<8x64x128xf32, #tpu.memory_space<vmem>> -> memref<1x64x128xf32, #tpu.memory_space<vmem>>
        %dma_start3A_216 = tpu.memref_squeeze %dma_start3A_215 : memref<1x64x128xf32, #tpu.memory_space<vmem>> -> memref<64x128xf32, #tpu.memory_space<vmem>>
        tpu.enqueue_dma source(%arg4 : memref<64x128xf32, #tpu.memory_space<hbm>>) target(%dma_start3A_216 : memref<64x128xf32, #tpu.memory_space<vmem>>) target_semaphore(%arg17 : memref<!tpu.dma_semaphore, #tpu.memory_space<semaphore_mem>>)
      } else {
      }
    } else {
    }
    %gt3A_155 = arith.constant 7 : i32
    %gt3A_156 = arith.cmpi sgt, %scan3A_121, %gt3A_155 : i32
    %convert_element_type3A_157 = arith.extui %gt3A_156 : i1 to i32
    %cond3A_158 = arith.constant 0 : i32
    %cond3A_159 = arith.cmpi ne, %convert_element_type3A_157, %cond3A_158 : i32
    scf.if %cond3A_159 {
      %div3A = arith.constant 7 : i32
      %div3A_181 = arith.constant 16 : i32
      %div3A_182 = arith.divsi %div3A, %div3A_181 : i32
      %mul3A_183 = arith.constant 16 : i32
      %mul3A_184 = arith.muli %div3A_182, %mul3A_183 : i32
      %multiple_of3A = tpu.assume_multiple %mul3A_184, 16 : i32
      %get3A_185 = arith.index_cast %multiple_of3A : i32 to index
      %get3A_186 = tpu.vector_load %arg12[%get3A_185] {strides = array<i32>} : memref<272xi32, #tpu.memory_space<vmem>>, vector<16xi32>,
      %rem3A = arith.constant 7 : i32
      %rem3A_187 = arith.constant 16 : i32
      %rem3A_188 = arith.remsi %rem3A, %rem3A_187 : i32
      %eq3A = vector.broadcast %rem3A_188 : i32 to vector<16xi32>
      %eq3A_189 = arith.cmpi eq, %iota3A, %eq3A : vector<16xi32>
      %jit3A_190 = arith.constant 0 : i32
      %broadcast_in_dim3A_191 = vector.broadcast %jit3A_190 : i32 to vector<16xi32>
      %select_n3A_192 = arith.select %eq3A_189, %get3A_186, %broadcast_in_dim3A_191 : vector<16xi1>, vector<16xi32>
      %reduce_sum3A = arith.constant true
      %reduce_sum3A_193 = vector.broadcast %reduce_sum3A : i1 to vector<16xi1>
      %reduce_sum3A_194 = tpu.scan <sum>, %select_n3A_192 masked %reduce_sum3A_193 : vector<16xi32>, vector<16xi1> -> vector<16xi32>
      %reduce_sum3A_195 = vector.extract %reduce_sum3A_194[15] : i32 from vector<16xi32>
      %mul3A_196 = arith.constant 128 : i32
      %mul3A_197 = arith.muli %reduce_sum3A_195, %mul3A_196 : i32
      %rem3A_198 = arith.constant 7 : i32
      %rem3A_199 = arith.constant 8 : i32
      %rem3A_200 = arith.remsi %rem3A_198, %rem3A_199 : i32
      %lt3A_201 = arith.constant 999936 : i32
      %lt3A_202 = arith.cmpi slt, %mul3A_197, %lt3A_201 : i32
      %convert_element_type3A_203 = arith.extui %lt3A_202 : i1 to i32
      %cond3A_204 = arith.constant 0 : i32
      %cond3A_205 = arith.cmpi ne, %convert_element_type3A_203, %cond3A_204 : i32
      scf.if %cond3A_205 {
        %multiple_of3A_210 = tpu.assume_multiple %mul3A_197, 128 : i32
        %dma_start3A = arith.constant 0 : i32
        %dma_start3A_211 = arith.constant 0 : i32
        %dma_start3A_212 = tpu.memref_slice %arg15[%rem3A_200, %dma_start3A, %dma_start3A_211] : memref<8x64x128xf32, #tpu.memory_space<vmem>> -> memref<1x64x128xf32, #tpu.memory_space<vmem>>
        %dma_start3A_213 = tpu.memref_squeeze %dma_start3A_212 : memref<1x64x128xf32, #tpu.memory_space<vmem>> -> memref<64x128xf32, #tpu.memory_space<vmem>>
        %dma_start3A_214 = arith.constant 0 : i32
        %dma_start3A_215 = tpu.memref_slice %arg3[%dma_start3A_214, %multiple_of3A_210] : memref<64x1000000xf32, #tpu.memory_space<hbm>> -> memref<64x128xf32, #tpu.memory_space<hbm>>
        %dma_start3A_216 = arith.constant 0 : i32
        %dma_start3A_217 = arith.constant 0 : i32
        %dma_start3A_218 = tpu.memref_slice %arg15[%rem3A_200, %dma_start3A_216, %dma_start3A_217] : memref<8x64x128xf32, #tpu.memory_space<vmem>> -> memref<1x64x128xf32, #tpu.memory_space<vmem>>
        %dma_start3A_219 = tpu.memref_squeeze %dma_start3A_218 : memref<1x64x128xf32, #tpu.memory_space<vmem>> -> memref<64x128xf32, #tpu.memory_space<vmem>>
        %dma_start3A_220 = arith.constant 0 : i32
        %dma_start3A_221 = tpu.memref_slice %arg3[%dma_start3A_220, %multiple_of3A_210] : memref<64x1000000xf32, #tpu.memory_space<hbm>> -> memref<64x128xf32, #tpu.memory_space<hbm>>
        tpu.enqueue_dma source(%dma_start3A_221 : memref<64x128xf32, #tpu.memory_space<hbm>>) target(%dma_start3A_219 : memref<64x128xf32, #tpu.memory_space<vmem>>) target_semaphore(%arg17 : memref<!tpu.dma_semaphore, #tpu.memory_space<semaphore_mem>>)
      } else {
      }
      %ge3A = arith.constant 999936 : i32
      %ge3A_206 = arith.cmpi sge, %mul3A_197, %ge3A : i32
      %convert_element_type3A_207 = arith.extui %ge3A_206 : i1 to i32
      %cond3A_208 = arith.constant 0 : i32
      %cond3A_209 = arith.cmpi ne, %convert_element_type3A_207, %cond3A_208 : i32
      scf.if %cond3A_209 {
        %dma_start3A = arith.constant 0 : i32
        %dma_start3A_210 = arith.constant 0 : i32
        %dma_start3A_211 = tpu.memref_slice %arg15[%rem3A_200, %dma_start3A, %dma_start3A_210] : memref<8x64x128xf32, #tpu.memory_space<vmem>> -> memref<1x64x128xf32, #tpu.memory_space<vmem>>
        %dma_start3A_212 = tpu.memref_squeeze %dma_start3A_211 : memref<1x64x128xf32, #tpu.memory_space<vmem>> -> memref<64x128xf32, #tpu.memory_space<vmem>>
        %dma_start3A_213 = arith.constant 0 : i32
        %dma_start3A_214 = arith.constant 0 : i32
        %dma_start3A_215 = tpu.memref_slice %arg15[%rem3A_200, %dma_start3A_213, %dma_start3A_214] : memref<8x64x128xf32, #tpu.memory_space<vmem>> -> memref<1x64x128xf32, #tpu.memory_space<vmem>>
        %dma_start3A_216 = tpu.memref_squeeze %dma_start3A_215 : memref<1x64x128xf32, #tpu.memory_space<vmem>> -> memref<64x128xf32, #tpu.memory_space<vmem>>
        tpu.enqueue_dma source(%arg4 : memref<64x128xf32, #tpu.memory_space<hbm>>) target(%dma_start3A_216 : memref<64x128xf32, #tpu.memory_space<vmem>>) target_semaphore(%arg17 : memref<!tpu.dma_semaphore, #tpu.memory_space<semaphore_mem>>)
      } else {
      }
    } else {
    }
    %while3A = arith.constant 0 : i32
    %while3A_160 = arith.constant 0 : i32
    %while3A_161 = arith.subi %scan3A_121, %while3A : i32
    %while3A_162 = arith.addi %while3A, %while3A_161 : i32
    %while3A_163 = arith.constant 1 : i32
    %while3A_164 = arith.divsi %while3A_161, %while3A_163 : i32
    %while3A_165 = arith.muli %while3A_164, %while3A_163 : i32
    %while3A_166 = arith.addi %while3A, %while3A_165 : i32
    %while3A_167 = arith.constant 1 : i32
    %while3A_168 = scf.for %while3A_181 = %while3A to %while3A_166 step %while3A_167 iter_args(%while3A_182 = %while3A_160) -> (i32)  : i32 {
      %rem3A = arith.constant 8 : i32
      %rem3A_183 = arith.remsi %while3A_181, %rem3A : i32
      %dma_wait3A = arith.constant 0 : i32
      %dma_wait3A_184 = arith.constant 0 : i32
      %dma_wait3A_185 = tpu.memref_slice %arg15[%rem3A_183, %dma_wait3A, %dma_wait3A_184] : memref<8x64x128xf32, #tpu.memory_space<vmem>> -> memref<1x64x128xf32, #tpu.memory_space<vmem>>
      %dma_wait3A_186 = tpu.memref_squeeze %dma_wait3A_185 : memref<1x64x128xf32, #tpu.memory_space<vmem>> -> memref<64x128xf32, #tpu.memory_space<vmem>>
      %dma_wait3A_187 = arith.constant 0 : i32
      %dma_wait3A_188 = arith.constant 0 : i32
      %dma_wait3A_189 = tpu.memref_slice %arg3[%dma_wait3A_187, %dma_wait3A_188] : memref<64x1000000xf32, #tpu.memory_space<hbm>> -> memref<64x128xf32, #tpu.memory_space<hbm>>
      %dma_wait3A_190 = arith.constant 0 : i32
      %dma_wait3A_191 = arith.constant 0 : i32
      %dma_wait3A_192 = tpu.memref_slice %arg15[%rem3A_183, %dma_wait3A_190, %dma_wait3A_191] : memref<8x64x128xf32, #tpu.memory_space<vmem>> -> memref<1x64x128xf32, #tpu.memory_space<vmem>>
      %dma_wait3A_193 = tpu.memref_squeeze %dma_wait3A_192 : memref<1x64x128xf32, #tpu.memory_space<vmem>> -> memref<64x128xf32, #tpu.memory_space<vmem>>
      %dma_wait3A_194 = arith.constant 0 : i32
      %dma_wait3A_195 = arith.constant 0 : i32
      %dma_wait3A_196 = tpu.memref_slice %arg3[%dma_wait3A_194, %dma_wait3A_195] : memref<64x1000000xf32, #tpu.memory_space<hbm>> -> memref<64x128xf32, #tpu.memory_space<hbm>>
      tpu.wait_dma2 semaphore(%arg17 : memref<!tpu.dma_semaphore, #tpu.memory_space<semaphore_mem>>) src(%dma_wait3A_196 : memref<64x128xf32, #tpu.memory_space<hbm>>) dst(%dma_wait3A_193 : memref<64x128xf32, #tpu.memory_space<vmem>>)
      %div3A = arith.constant 16 : i32
      %div3A_197 = arith.divsi %while3A_181, %div3A : i32
      %mul3A_198 = arith.constant 16 : i32
      %mul3A_199 = arith.muli %div3A_197, %mul3A_198 : i32
      %multiple_of3A = tpu.assume_multiple %mul3A_199, 16 : i32
      %get3A_200 = arith.index_cast %multiple_of3A : i32 to index
      %get3A_201 = tpu.vector_load %arg12[%get3A_200] {strides = array<i32>} : memref<272xi32, #tpu.memory_space<vmem>>, vector<16xi32>,
      %rem3A_202 = arith.constant 16 : i32
      %rem3A_203 = arith.remsi %while3A_181, %rem3A_202 : i32
      %eq3A = vector.broadcast %rem3A_203 : i32 to vector<16xi32>
      %eq3A_204 = arith.cmpi eq, %iota3A, %eq3A : vector<16xi32>
      %jit3A_205 = arith.constant 0 : i32
      %broadcast_in_dim3A_206 = vector.broadcast %jit3A_205 : i32 to vector<16xi32>
      %select_n3A_207 = arith.select %eq3A_204, %get3A_201, %broadcast_in_dim3A_206 : vector<16xi1>, vector<16xi32>
      %reduce_sum3A = arith.constant true
      %reduce_sum3A_208 = vector.broadcast %reduce_sum3A : i1 to vector<16xi1>
      %reduce_sum3A_209 = tpu.scan <sum>, %select_n3A_207 masked %reduce_sum3A_208 : vector<16xi32>, vector<16xi1> -> vector<16xi32>
      %reduce_sum3A_210 = vector.extract %reduce_sum3A_209[15] : i32 from vector<16xi32>
      %mul3A_211 = arith.constant 128 : i32
      %mul3A_212 = arith.muli %reduce_sum3A_210, %mul3A_211 : i32
      %div3A_213 = arith.constant 16 : i32
      %div3A_214 = arith.divsi %while3A_181, %div3A_213 : i32
      %mul3A_215 = arith.constant 16 : i32
      %mul3A_216 = arith.muli %div3A_214, %mul3A_215 : i32
      %multiple_of3A_217 = tpu.assume_multiple %mul3A_216, 16 : i32
      %get3A_218 = arith.index_cast %multiple_of3A_217 : i32 to index
      %get3A_219 = tpu.vector_load %arg13[%get3A_218] {strides = array<i32>} : memref<272xi32, #tpu.memory_space<vmem>>, vector<16xi32>,
      %rem3A_220 = arith.constant 16 : i32
      %rem3A_221 = arith.remsi %while3A_181, %rem3A_220 : i32
      %eq3A_222 = vector.broadcast %rem3A_221 : i32 to vector<16xi32>
      %eq3A_223 = arith.cmpi eq, %iota3A, %eq3A_222 : vector<16xi32>
      %jit3A_224 = arith.constant 0 : i32
      %broadcast_in_dim3A_225 = vector.broadcast %jit3A_224 : i32 to vector<16xi32>
      %select_n3A_226 = arith.select %eq3A_223, %get3A_219, %broadcast_in_dim3A_225 : vector<16xi1>, vector<16xi32>
      %reduce_sum3A_227 = arith.constant true
      %reduce_sum3A_228 = vector.broadcast %reduce_sum3A_227 : i1 to vector<16xi1>
      %reduce_sum3A_229 = tpu.scan <sum>, %select_n3A_226 masked %reduce_sum3A_228 : vector<16xi32>, vector<16xi1> -> vector<16xi32>
      %reduce_sum3A_230 = vector.extract %reduce_sum3A_229[15] : i32 from vector<16xi32>
      %div3A_231 = arith.constant 16 : i32
      %div3A_232 = arith.divsi %while3A_181, %div3A_231 : i32
      %mul3A_233 = arith.constant 16 : i32
      %mul3A_234 = arith.muli %div3A_232, %mul3A_233 : i32
      %multiple_of3A_235 = tpu.assume_multiple %mul3A_234, 16 : i32
      %get3A_236 = arith.index_cast %multiple_of3A_235 : i32 to index
      %get3A_237 = tpu.vector_load %arg14[%get3A_236] {strides = array<i32>} : memref<272xi32, #tpu.memory_space<vmem>>, vector<16xi32>,
      %rem3A_238 = arith.constant 16 : i32
      %rem3A_239 = arith.remsi %while3A_181, %rem3A_238 : i32
      %eq3A_240 = vector.broadcast %rem3A_239 : i32 to vector<16xi32>
      %eq3A_241 = arith.cmpi eq, %iota3A, %eq3A_240 : vector<16xi32>
      %jit3A_242 = arith.constant 0 : i32
      %broadcast_in_dim3A_243 = vector.broadcast %jit3A_242 : i32 to vector<16xi32>
      %select_n3A_244 = arith.select %eq3A_241, %get3A_237, %broadcast_in_dim3A_243 : vector<16xi1>, vector<16xi32>
      %reduce_sum3A_245 = arith.constant true
      %reduce_sum3A_246 = vector.broadcast %reduce_sum3A_245 : i1 to vector<16xi1>
      %reduce_sum3A_247 = tpu.scan <sum>, %select_n3A_244 masked %reduce_sum3A_246 : vector<16xi32>, vector<16xi1> -> vector<16xi32>
      %reduce_sum3A_248 = vector.extract %reduce_sum3A_247[15] : i32 from vector<16xi32>
      %broadcast_in_dim3A_249 = vector.broadcast %rem3A_183 : i32 to vector<16xi32>
      %while3A_250 = arith.subi %reduce_sum3A_248, %reduce_sum3A_230 : i32
      %while3A_251 = arith.addi %reduce_sum3A_230, %while3A_250 : i32
      %while3A_252 = arith.constant 1 : i32
      %while3A_253 = arith.divsi %while3A_250, %while3A_252 : i32
      %while3A_254 = arith.muli %while3A_253, %while3A_252 : i32
      %while3A_255 = arith.addi %reduce_sum3A_230, %while3A_254 : i32
      %while3A_256 = arith.constant 1 : i32
      %while3A_257 = scf.for %while3A_266 = %reduce_sum3A_230 to %while3A_255 step %while3A_256 iter_args(%while3A_267 = %while3A_182) -> (i32)  : i32 {
        %div3A_268 = arith.constant 16 : i32
        %div3A_269 = arith.divsi %while3A_266, %div3A_268 : i32
        %mul3A_270 = arith.constant 16 : i32
        %mul3A_271 = arith.muli %div3A_269, %mul3A_270 : i32
        %multiple_of3A_272 = tpu.assume_multiple %mul3A_271, 16 : i32
        %get3A_273 = arith.index_cast %multiple_of3A_272 : i32 to index
        %get3A_274 = tpu.vector_load %arg7[%get3A_273] {strides = array<i32>} : memref<16384xi32, #tpu.memory_space<vmem>>, vector<16xi32>,
        %rem3A_275 = arith.constant 16 : i32
        %rem3A_276 = arith.remsi %while3A_266, %rem3A_275 : i32
        %eq3A_277 = vector.broadcast %rem3A_276 : i32 to vector<16xi32>
        %eq3A_278 = arith.cmpi eq, %iota3A, %eq3A_277 : vector<16xi32>
        %jit3A_279 = arith.constant 0 : i32
        %broadcast_in_dim3A_280 = vector.broadcast %jit3A_279 : i32 to vector<16xi32>
        %select_n3A_281 = arith.select %eq3A_278, %get3A_274, %broadcast_in_dim3A_280 : vector<16xi1>, vector<16xi32>
        %reduce_sum3A_282 = arith.constant true
        %reduce_sum3A_283 = vector.broadcast %reduce_sum3A_282 : i1 to vector<16xi1>
        %reduce_sum3A_284 = tpu.scan <sum>, %select_n3A_281 masked %reduce_sum3A_283 : vector<16xi32>, vector<16xi1> -> vector<16xi32>
        %reduce_sum3A_285 = vector.extract %reduce_sum3A_284[15] : i32 from vector<16xi32>
        %div3A_286 = arith.constant 16 : i32
        %div3A_287 = arith.divsi %while3A_266, %div3A_286 : i32
        %mul3A_288 = arith.constant 16 : i32
        %mul3A_289 = arith.muli %div3A_287, %mul3A_288 : i32
        %multiple_of3A_290 = tpu.assume_multiple %mul3A_289, 16 : i32
        %get3A_291 = arith.index_cast %multiple_of3A_290 : i32 to index
        %get3A_292 = tpu.vector_load %arg8[%get3A_291] {strides = array<i32>} : memref<16384xi32, #tpu.memory_space<vmem>>, vector<16xi32>,
        %rem3A_293 = arith.constant 16 : i32
        %rem3A_294 = arith.remsi %while3A_266, %rem3A_293 : i32
        %eq3A_295 = vector.broadcast %rem3A_294 : i32 to vector<16xi32>
        %eq3A_296 = arith.cmpi eq, %iota3A, %eq3A_295 : vector<16xi32>
        %jit3A_297 = arith.constant 0 : i32
        %broadcast_in_dim3A_298 = vector.broadcast %jit3A_297 : i32 to vector<16xi32>
        %select_n3A_299 = arith.select %eq3A_296, %get3A_292, %broadcast_in_dim3A_298 : vector<16xi1>, vector<16xi32>
        %reduce_sum3A_300 = arith.constant true
        %reduce_sum3A_301 = vector.broadcast %reduce_sum3A_300 : i1 to vector<16xi1>
        %reduce_sum3A_302 = tpu.scan <sum>, %select_n3A_299 masked %reduce_sum3A_301 : vector<16xi32>, vector<16xi1> -> vector<16xi32>
        %reduce_sum3A_303 = vector.extract %reduce_sum3A_302[15] : i32 from vector<16xi32>
        %lt3A_304 = arith.constant 999936 : i32
        %lt3A_305 = arith.cmpi slt, %mul3A_212, %lt3A_304 : i32
        %sub3A = arith.subi %reduce_sum3A_285, %mul3A_212 : i32
        %sub3A_306 = arith.constant 999872 : i32
        %sub3A_307 = arith.subi %reduce_sum3A_285, %sub3A_306 : i32
        %select_n3A_308 = arith.select %lt3A_305, %sub3A, %sub3A_307 : i32
        %broadcast_in_dim3A_309 = vector.broadcast %select_n3A_308 : i32 to vector<16xi32>
        %rem3A_310 = arith.constant 64 : i32
        %rem3A_311 = arith.remsi %while3A_267, %rem3A_310 : i32
        %ge3A = arith.constant 64 : i32
        %ge3A_312 = arith.cmpi sge, %while3A_267, %ge3A : i32
        %convert_element_type3A_313 = arith.extui %ge3A_312 : i1 to i32
        %cond3A_314 = arith.constant 0 : i32
        %cond3A_315 = arith.cmpi ne, %convert_element_type3A_313, %cond3A_314 : i32
        scf.if %cond3A_315 {
          %dma_wait3A_369 = arith.constant 0 : i32
          %dma_wait3A_370 = tpu.memref_slice %arg16[%dma_wait3A_369] : memref<4096xf32, #tpu.memory_space<vmem>> -> memref<64xf32, #tpu.memory_space<vmem>>
          %dma_wait3A_371 = arith.constant 0 : i32
          %dma_wait3A_372 = tpu.memref_slice %arg5[%dma_wait3A_371] : memref<1048576xf32, #tpu.memory_space<hbm>> -> memref<64xf32, #tpu.memory_space<hbm>>
          %dma_wait3A_373 = arith.constant 0 : i32
          %dma_wait3A_374 = tpu.memref_slice %arg5[%dma_wait3A_373] : memref<1048576xf32, #tpu.memory_space<hbm>> -> memref<64xf32, #tpu.memory_space<hbm>>
          %dma_wait3A_375 = arith.constant 0 : i32
          %dma_wait3A_376 = tpu.memref_slice %arg16[%dma_wait3A_375] : memref<4096xf32, #tpu.memory_space<vmem>> -> memref<64xf32, #tpu.memory_space<vmem>>
          tpu.wait_dma2 semaphore(%arg18 : memref<!tpu.dma_semaphore, #tpu.memory_space<semaphore_mem>>) src(%dma_wait3A_376 : memref<64xf32, #tpu.memory_space<vmem>>) dst(%dma_wait3A_374 : memref<64xf32, #tpu.memory_space<hbm>>)
        } else {
        }
        %add3A_316 = arith.constant 0 : i32
        %add3A_317 = vector.broadcast %add3A_316 : i32 to vector<16xi32>
        %add3A_318 = arith.addi %iota3A, %add3A_317 : vector<16xi32>
        %gather3A = tpu.vector_load_idx %arg15[%broadcast_in_dim3A_249, %add3A_318, %broadcast_in_dim3A_309] : memref<8x64x128xf32, #tpu.memory_space<vmem>>[vector<16xi32>, vector<16xi32>, vector<16xi32>], vector<16xf32>,
        %mul3A_319 = arith.constant 64 : i32
        %mul3A_320 = arith.muli %rem3A_311, %mul3A_319 : i32
        %add3A_321 = arith.constant 0 : i32
        %add3A_322 = arith.addi %mul3A_320, %add3A_321 : i32
        %multiple_of3A_323 = tpu.assume_multiple %add3A_322, 16 : i32
        %swap3A_324 = arith.index_cast %multiple_of3A_323 : i32 to index
        %swap3A_325 = tpu.vector_load %arg16[%swap3A_324] {strides = array<i32>} : memref<4096xf32, #tpu.memory_space<vmem>>, vector<16xf32>,
        tpu.vector_store %arg16[%swap3A_324], %gather3A {strides = array<i32>} : memref<4096xf32, #tpu.memory_space<vmem>>, vector<16xf32>,
        %add3A_326 = arith.constant 16 : i32
        %add3A_327 = vector.broadcast %add3A_326 : i32 to vector<16xi32>
        %add3A_328 = arith.addi %iota3A, %add3A_327 : vector<16xi32>
        %gather3A_329 = tpu.vector_load_idx %arg15[%broadcast_in_dim3A_249, %add3A_328, %broadcast_in_dim3A_309] : memref<8x64x128xf32, #tpu.memory_space<vmem>>[vector<16xi32>, vector<16xi32>, vector<16xi32>], vector<16xf32>,
        %mul3A_330 = arith.constant 64 : i32
        %mul3A_331 = arith.muli %rem3A_311, %mul3A_330 : i32
        %add3A_332 = arith.constant 16 : i32
        %add3A_333 = arith.addi %mul3A_331, %add3A_332 : i32
        %multiple_of3A_334 = tpu.assume_multiple %add3A_333, 16 : i32
        %swap3A_335 = arith.index_cast %multiple_of3A_334 : i32 to index
        %swap3A_336 = tpu.vector_load %arg16[%swap3A_335] {strides = array<i32>} : memref<4096xf32, #tpu.memory_space<vmem>>, vector<16xf32>,
        tpu.vector_store %arg16[%swap3A_335], %gather3A_329 {strides = array<i32>} : memref<4096xf32, #tpu.memory_space<vmem>>, vector<16xf32>,
        %add3A_337 = arith.constant 32 : i32
        %add3A_338 = vector.broadcast %add3A_337 : i32 to vector<16xi32>
        %add3A_339 = arith.addi %iota3A, %add3A_338 : vector<16xi32>
        %gather3A_340 = tpu.vector_load_idx %arg15[%broadcast_in_dim3A_249, %add3A_339, %broadcast_in_dim3A_309] : memref<8x64x128xf32, #tpu.memory_space<vmem>>[vector<16xi32>, vector<16xi32>, vector<16xi32>], vector<16xf32>,
        %mul3A_341 = arith.constant 64 : i32
        %mul3A_342 = arith.muli %rem3A_311, %mul3A_341 : i32
        %add3A_343 = arith.constant 32 : i32
        %add3A_344 = arith.addi %mul3A_342, %add3A_343 : i32
        %multiple_of3A_345 = tpu.assume_multiple %add3A_344, 16 : i32
        %swap3A_346 = arith.index_cast %multiple_of3A_345 : i32 to index
        %swap3A_347 = tpu.vector_load %arg16[%swap3A_346] {strides = array<i32>} : memref<4096xf32, #tpu.memory_space<vmem>>, vector<16xf32>,
        tpu.vector_store %arg16[%swap3A_346], %gather3A_340 {strides = array<i32>} : memref<4096xf32, #tpu.memory_space<vmem>>, vector<16xf32>,
        %add3A_348 = arith.constant 48 : i32
        %add3A_349 = vector.broadcast %add3A_348 : i32 to vector<16xi32>
        %add3A_350 = arith.addi %iota3A, %add3A_349 : vector<16xi32>
        %gather3A_351 = tpu.vector_load_idx %arg15[%broadcast_in_dim3A_249, %add3A_350, %broadcast_in_dim3A_309] : memref<8x64x128xf32, #tpu.memory_space<vmem>>[vector<16xi32>, vector<16xi32>, vector<16xi32>], vector<16xf32>,
        %mul3A_352 = arith.constant 64 : i32
        %mul3A_353 = arith.muli %rem3A_311, %mul3A_352 : i32
        %add3A_354 = arith.constant 48 : i32
        %add3A_355 = arith.addi %mul3A_353, %add3A_354 : i32
        %multiple_of3A_356 = tpu.assume_multiple %add3A_355, 16 : i32
        %swap3A_357 = arith.index_cast %multiple_of3A_356 : i32 to index
        %swap3A_358 = tpu.vector_load %arg16[%swap3A_357] {strides = array<i32>} : memref<4096xf32, #tpu.memory_space<vmem>>, vector<16xf32>,
        tpu.vector_store %arg16[%swap3A_357], %gather3A_351 {strides = array<i32>} : memref<4096xf32, #tpu.memory_space<vmem>>, vector<16xf32>,
        %mul3A_359 = arith.constant 64 : i32
        %mul3A_360 = arith.muli %rem3A_311, %mul3A_359 : i32
        %multiple_of3A_361 = tpu.assume_multiple %mul3A_360, 16 : i32
        %mul3A_362 = arith.constant 64 : i32
        %mul3A_363 = arith.muli %reduce_sum3A_303, %mul3A_362 : i32
        %dma_start3A = tpu.memref_slice %arg16[%multiple_of3A_361] : memref<4096xf32, #tpu.memory_space<vmem>> -> memref<64xf32, #tpu.memory_space<vmem>>
        %dma_start3A_364 = tpu.memref_slice %arg5[%mul3A_363] : memref<1048576xf32, #tpu.memory_space<hbm>> -> memref<64xf32, #tpu.memory_space<hbm>>
        %dma_start3A_365 = tpu.memref_slice %arg5[%mul3A_363] : memref<1048576xf32, #tpu.memory_space<hbm>> -> memref<64xf32, #tpu.memory_space<hbm>>
        %dma_start3A_366 = tpu.memref_slice %arg16[%multiple_of3A_361] : memref<4096xf32, #tpu.memory_space<vmem>> -> memref<64xf32, #tpu.memory_space<vmem>>
        tpu.enqueue_dma source(%dma_start3A_366 : memref<64xf32, #tpu.memory_space<vmem>>) target(%dma_start3A_365 : memref<64xf32, #tpu.memory_space<hbm>>) target_semaphore(%arg18 : memref<!tpu.dma_semaphore, #tpu.memory_space<semaphore_mem>>)
        %add3A_367 = arith.constant 1 : i32
        %add3A_368 = arith.addi %while3A_267, %add3A_367 : i32
        scf.yield %add3A_368 : i32
      }
      %while3A_258 = arith.constant 1 : i32
      %while3A_259 = scf.for %while3A_266 = %while3A_255 to %while3A_251 step %while3A_258 iter_args(%while3A_267 = %while3A_257) -> (i32)  : i32 {
        %div3A_268 = arith.constant 16 : i32
        %div3A_269 = arith.divsi %while3A_266, %div3A_268 : i32
        %mul3A_270 = arith.constant 16 : i32
        %mul3A_271 = arith.muli %div3A_269, %mul3A_270 : i32
        %multiple_of3A_272 = tpu.assume_multiple %mul3A_271, 16 : i32
        %get3A_273 = arith.index_cast %multiple_of3A_272 : i32 to index
        %get3A_274 = tpu.vector_load %arg7[%get3A_273] {strides = array<i32>} : memref<16384xi32, #tpu.memory_space<vmem>>, vector<16xi32>,
        %rem3A_275 = arith.constant 16 : i32
        %rem3A_276 = arith.remsi %while3A_266, %rem3A_275 : i32
        %eq3A_277 = vector.broadcast %rem3A_276 : i32 to vector<16xi32>
        %eq3A_278 = arith.cmpi eq, %iota3A, %eq3A_277 : vector<16xi32>
        %jit3A_279 = arith.constant 0 : i32
        %broadcast_in_dim3A_280 = vector.broadcast %jit3A_279 : i32 to vector<16xi32>
        %select_n3A_281 = arith.select %eq3A_278, %get3A_274, %broadcast_in_dim3A_280 : vector<16xi1>, vector<16xi32>
        %reduce_sum3A_282 = arith.constant true
        %reduce_sum3A_283 = vector.broadcast %reduce_sum3A_282 : i1 to vector<16xi1>
        %reduce_sum3A_284 = tpu.scan <sum>, %select_n3A_281 masked %reduce_sum3A_283 : vector<16xi32>, vector<16xi1> -> vector<16xi32>
        %reduce_sum3A_285 = vector.extract %reduce_sum3A_284[15] : i32 from vector<16xi32>
        %div3A_286 = arith.constant 16 : i32
        %div3A_287 = arith.divsi %while3A_266, %div3A_286 : i32
        %mul3A_288 = arith.constant 16 : i32
        %mul3A_289 = arith.muli %div3A_287, %mul3A_288 : i32
        %multiple_of3A_290 = tpu.assume_multiple %mul3A_289, 16 : i32
        %get3A_291 = arith.index_cast %multiple_of3A_290 : i32 to index
        %get3A_292 = tpu.vector_load %arg8[%get3A_291] {strides = array<i32>} : memref<16384xi32, #tpu.memory_space<vmem>>, vector<16xi32>,
        %rem3A_293 = arith.constant 16 : i32
        %rem3A_294 = arith.remsi %while3A_266, %rem3A_293 : i32
        %eq3A_295 = vector.broadcast %rem3A_294 : i32 to vector<16xi32>
        %eq3A_296 = arith.cmpi eq, %iota3A, %eq3A_295 : vector<16xi32>
        %jit3A_297 = arith.constant 0 : i32
        %broadcast_in_dim3A_298 = vector.broadcast %jit3A_297 : i32 to vector<16xi32>
        %select_n3A_299 = arith.select %eq3A_296, %get3A_292, %broadcast_in_dim3A_298 : vector<16xi1>, vector<16xi32>
        %reduce_sum3A_300 = arith.constant true
        %reduce_sum3A_301 = vector.broadcast %reduce_sum3A_300 : i1 to vector<16xi1>
        %reduce_sum3A_302 = tpu.scan <sum>, %select_n3A_299 masked %reduce_sum3A_301 : vector<16xi32>, vector<16xi1> -> vector<16xi32>
        %reduce_sum3A_303 = vector.extract %reduce_sum3A_302[15] : i32 from vector<16xi32>
        %lt3A_304 = arith.constant 999936 : i32
        %lt3A_305 = arith.cmpi slt, %mul3A_212, %lt3A_304 : i32
        %sub3A = arith.subi %reduce_sum3A_285, %mul3A_212 : i32
        %sub3A_306 = arith.constant 999872 : i32
        %sub3A_307 = arith.subi %reduce_sum3A_285, %sub3A_306 : i32
        %select_n3A_308 = arith.select %lt3A_305, %sub3A, %sub3A_307 : i32
        %broadcast_in_dim3A_309 = vector.broadcast %select_n3A_308 : i32 to vector<16xi32>
        %rem3A_310 = arith.constant 64 : i32
        %rem3A_311 = arith.remsi %while3A_267, %rem3A_310 : i32
        %ge3A = arith.constant 64 : i32
        %ge3A_312 = arith.cmpi sge, %while3A_267, %ge3A : i32
        %convert_element_type3A_313 = arith.extui %ge3A_312 : i1 to i32
        %cond3A_314 = arith.constant 0 : i32
        %cond3A_315 = arith.cmpi ne, %convert_element_type3A_313, %cond3A_314 : i32
        scf.if %cond3A_315 {
          %dma_wait3A_369 = arith.constant 0 : i32
          %dma_wait3A_370 = tpu.memref_slice %arg16[%dma_wait3A_369] : memref<4096xf32, #tpu.memory_space<vmem>> -> memref<64xf32, #tpu.memory_space<vmem>>
          %dma_wait3A_371 = arith.constant 0 : i32
          %dma_wait3A_372 = tpu.memref_slice %arg5[%dma_wait3A_371] : memref<1048576xf32, #tpu.memory_space<hbm>> -> memref<64xf32, #tpu.memory_space<hbm>>
          %dma_wait3A_373 = arith.constant 0 : i32
          %dma_wait3A_374 = tpu.memref_slice %arg5[%dma_wait3A_373] : memref<1048576xf32, #tpu.memory_space<hbm>> -> memref<64xf32, #tpu.memory_space<hbm>>
          %dma_wait3A_375 = arith.constant 0 : i32
          %dma_wait3A_376 = tpu.memref_slice %arg16[%dma_wait3A_375] : memref<4096xf32, #tpu.memory_space<vmem>> -> memref<64xf32, #tpu.memory_space<vmem>>
          tpu.wait_dma2 semaphore(%arg18 : memref<!tpu.dma_semaphore, #tpu.memory_space<semaphore_mem>>) src(%dma_wait3A_376 : memref<64xf32, #tpu.memory_space<vmem>>) dst(%dma_wait3A_374 : memref<64xf32, #tpu.memory_space<hbm>>)
        } else {
        }
        %add3A_316 = arith.constant 0 : i32
        %add3A_317 = vector.broadcast %add3A_316 : i32 to vector<16xi32>
        %add3A_318 = arith.addi %iota3A, %add3A_317 : vector<16xi32>
        %gather3A = tpu.vector_load_idx %arg15[%broadcast_in_dim3A_249, %add3A_318, %broadcast_in_dim3A_309] : memref<8x64x128xf32, #tpu.memory_space<vmem>>[vector<16xi32>, vector<16xi32>, vector<16xi32>], vector<16xf32>,
        %mul3A_319 = arith.constant 64 : i32
        %mul3A_320 = arith.muli %rem3A_311, %mul3A_319 : i32
        %add3A_321 = arith.constant 0 : i32
        %add3A_322 = arith.addi %mul3A_320, %add3A_321 : i32
        %multiple_of3A_323 = tpu.assume_multiple %add3A_322, 16 : i32
        %swap3A_324 = arith.index_cast %multiple_of3A_323 : i32 to index
        %swap3A_325 = tpu.vector_load %arg16[%swap3A_324] {strides = array<i32>} : memref<4096xf32, #tpu.memory_space<vmem>>, vector<16xf32>,
        tpu.vector_store %arg16[%swap3A_324], %gather3A {strides = array<i32>} : memref<4096xf32, #tpu.memory_space<vmem>>, vector<16xf32>,
        %add3A_326 = arith.constant 16 : i32
        %add3A_327 = vector.broadcast %add3A_326 : i32 to vector<16xi32>
        %add3A_328 = arith.addi %iota3A, %add3A_327 : vector<16xi32>
        %gather3A_329 = tpu.vector_load_idx %arg15[%broadcast_in_dim3A_249, %add3A_328, %broadcast_in_dim3A_309] : memref<8x64x128xf32, #tpu.memory_space<vmem>>[vector<16xi32>, vector<16xi32>, vector<16xi32>], vector<16xf32>,
        %mul3A_330 = arith.constant 64 : i32
        %mul3A_331 = arith.muli %rem3A_311, %mul3A_330 : i32
        %add3A_332 = arith.constant 16 : i32
        %add3A_333 = arith.addi %mul3A_331, %add3A_332 : i32
        %multiple_of3A_334 = tpu.assume_multiple %add3A_333, 16 : i32
        %swap3A_335 = arith.index_cast %multiple_of3A_334 : i32 to index
        %swap3A_336 = tpu.vector_load %arg16[%swap3A_335] {strides = array<i32>} : memref<4096xf32, #tpu.memory_space<vmem>>, vector<16xf32>,
        tpu.vector_store %arg16[%swap3A_335], %gather3A_329 {strides = array<i32>} : memref<4096xf32, #tpu.memory_space<vmem>>, vector<16xf32>,
        %add3A_337 = arith.constant 32 : i32
        %add3A_338 = vector.broadcast %add3A_337 : i32 to vector<16xi32>
        %add3A_339 = arith.addi %iota3A, %add3A_338 : vector<16xi32>
        %gather3A_340 = tpu.vector_load_idx %arg15[%broadcast_in_dim3A_249, %add3A_339, %broadcast_in_dim3A_309] : memref<8x64x128xf32, #tpu.memory_space<vmem>>[vector<16xi32>, vector<16xi32>, vector<16xi32>], vector<16xf32>,
        %mul3A_341 = arith.constant 64 : i32
        %mul3A_342 = arith.muli %rem3A_311, %mul3A_341 : i32
        %add3A_343 = arith.constant 32 : i32
        %add3A_344 = arith.addi %mul3A_342, %add3A_343 : i32
        %multiple_of3A_345 = tpu.assume_multiple %add3A_344, 16 : i32
        %swap3A_346 = arith.index_cast %multiple_of3A_345 : i32 to index
        %swap3A_347 = tpu.vector_load %arg16[%swap3A_346] {strides = array<i32>} : memref<4096xf32, #tpu.memory_space<vmem>>, vector<16xf32>,
        tpu.vector_store %arg16[%swap3A_346], %gather3A_340 {strides = array<i32>} : memref<4096xf32, #tpu.memory_space<vmem>>, vector<16xf32>,
        %add3A_348 = arith.constant 48 : i32
        %add3A_349 = vector.broadcast %add3A_348 : i32 to vector<16xi32>
        %add3A_350 = arith.addi %iota3A, %add3A_349 : vector<16xi32>
        %gather3A_351 = tpu.vector_load_idx %arg15[%broadcast_in_dim3A_249, %add3A_350, %broadcast_in_dim3A_309] : memref<8x64x128xf32, #tpu.memory_space<vmem>>[vector<16xi32>, vector<16xi32>, vector<16xi32>], vector<16xf32>,
        %mul3A_352 = arith.constant 64 : i32
        %mul3A_353 = arith.muli %rem3A_311, %mul3A_352 : i32
        %add3A_354 = arith.constant 48 : i32
        %add3A_355 = arith.addi %mul3A_353, %add3A_354 : i32
        %multiple_of3A_356 = tpu.assume_multiple %add3A_355, 16 : i32
        %swap3A_357 = arith.index_cast %multiple_of3A_356 : i32 to index
        %swap3A_358 = tpu.vector_load %arg16[%swap3A_357] {strides = array<i32>} : memref<4096xf32, #tpu.memory_space<vmem>>, vector<16xf32>,
        tpu.vector_store %arg16[%swap3A_357], %gather3A_351 {strides = array<i32>} : memref<4096xf32, #tpu.memory_space<vmem>>, vector<16xf32>,
        %mul3A_359 = arith.constant 64 : i32
        %mul3A_360 = arith.muli %rem3A_311, %mul3A_359 : i32
        %multiple_of3A_361 = tpu.assume_multiple %mul3A_360, 16 : i32
        %mul3A_362 = arith.constant 64 : i32
        %mul3A_363 = arith.muli %reduce_sum3A_303, %mul3A_362 : i32
        %dma_start3A = tpu.memref_slice %arg16[%multiple_of3A_361] : memref<4096xf32, #tpu.memory_space<vmem>> -> memref<64xf32, #tpu.memory_space<vmem>>
        %dma_start3A_364 = tpu.memref_slice %arg5[%mul3A_363] : memref<1048576xf32, #tpu.memory_space<hbm>> -> memref<64xf32, #tpu.memory_space<hbm>>
        %dma_start3A_365 = tpu.memref_slice %arg5[%mul3A_363] : memref<1048576xf32, #tpu.memory_space<hbm>> -> memref<64xf32, #tpu.memory_space<hbm>>
        %dma_start3A_366 = tpu.memref_slice %arg16[%multiple_of3A_361] : memref<4096xf32, #tpu.memory_space<vmem>> -> memref<64xf32, #tpu.memory_space<vmem>>
        tpu.enqueue_dma source(%dma_start3A_366 : memref<64xf32, #tpu.memory_space<vmem>>) target(%dma_start3A_365 : memref<64xf32, #tpu.memory_space<hbm>>) target_semaphore(%arg18 : memref<!tpu.dma_semaphore, #tpu.memory_space<semaphore_mem>>)
        %add3A_367 = arith.constant 1 : i32
        %add3A_368 = arith.addi %while3A_267, %add3A_367 : i32
        scf.yield %add3A_368 : i32
      }
      %add3A_260 = arith.constant 8 : i32
      %add3A_261 = arith.addi %while3A_181, %add3A_260 : i32
      %lt3A_262 = arith.cmpi slt, %add3A_261, %scan3A_121 : i32
      %convert_element_type3A_263 = arith.extui %lt3A_262 : i1 to i32
      %cond3A_264 = arith.constant 0 : i32
      %cond3A_265 = arith.cmpi ne, %convert_element_type3A_263, %cond3A_264 : i32
      scf.if %cond3A_265 {
        %add3A_266 = arith.constant 8 : i32
        %add3A_267 = arith.addi %while3A_181, %add3A_266 : i32
        %div3A_268 = arith.constant 16 : i32
        %div3A_269 = arith.divsi %add3A_267, %div3A_268 : i32
        %mul3A_270 = arith.constant 16 : i32
        %mul3A_271 = arith.muli %div3A_269, %mul3A_270 : i32
        %multiple_of3A_272 = tpu.assume_multiple %mul3A_271, 16 : i32
        %get3A_273 = arith.index_cast %multiple_of3A_272 : i32 to index
        %get3A_274 = tpu.vector_load %arg12[%get3A_273] {strides = array<i32>} : memref<272xi32, #tpu.memory_space<vmem>>, vector<16xi32>,
        %rem3A_275 = arith.constant 16 : i32
        %rem3A_276 = arith.remsi %add3A_267, %rem3A_275 : i32
        %eq3A_277 = vector.broadcast %rem3A_276 : i32 to vector<16xi32>
        %eq3A_278 = arith.cmpi eq, %iota3A, %eq3A_277 : vector<16xi32>
        %jit3A_279 = arith.constant 0 : i32
        %broadcast_in_dim3A_280 = vector.broadcast %jit3A_279 : i32 to vector<16xi32>
        %select_n3A_281 = arith.select %eq3A_278, %get3A_274, %broadcast_in_dim3A_280 : vector<16xi1>, vector<16xi32>
        %reduce_sum3A_282 = arith.constant true
        %reduce_sum3A_283 = vector.broadcast %reduce_sum3A_282 : i1 to vector<16xi1>
        %reduce_sum3A_284 = tpu.scan <sum>, %select_n3A_281 masked %reduce_sum3A_283 : vector<16xi32>, vector<16xi1> -> vector<16xi32>
        %reduce_sum3A_285 = vector.extract %reduce_sum3A_284[15] : i32 from vector<16xi32>
        %mul3A_286 = arith.constant 128 : i32
        %mul3A_287 = arith.muli %reduce_sum3A_285, %mul3A_286 : i32
        %rem3A_288 = arith.constant 8 : i32
        %rem3A_289 = arith.remsi %add3A_267, %rem3A_288 : i32
        %lt3A_290 = arith.constant 999936 : i32
        %lt3A_291 = arith.cmpi slt, %mul3A_287, %lt3A_290 : i32
        %convert_element_type3A_292 = arith.extui %lt3A_291 : i1 to i32
        %cond3A_293 = arith.constant 0 : i32
        %cond3A_294 = arith.cmpi ne, %convert_element_type3A_292, %cond3A_293 : i32
        scf.if %cond3A_294 {
          %multiple_of3A_299 = tpu.assume_multiple %mul3A_287, 128 : i32
          %dma_start3A = arith.constant 0 : i32
          %dma_start3A_300 = arith.constant 0 : i32
          %dma_start3A_301 = tpu.memref_slice %arg15[%rem3A_289, %dma_start3A, %dma_start3A_300] : memref<8x64x128xf32, #tpu.memory_space<vmem>> -> memref<1x64x128xf32, #tpu.memory_space<vmem>>
          %dma_start3A_302 = tpu.memref_squeeze %dma_start3A_301 : memref<1x64x128xf32, #tpu.memory_space<vmem>> -> memref<64x128xf32, #tpu.memory_space<vmem>>
          %dma_start3A_303 = arith.constant 0 : i32
          %dma_start3A_304 = tpu.memref_slice %arg3[%dma_start3A_303, %multiple_of3A_299] : memref<64x1000000xf32, #tpu.memory_space<hbm>> -> memref<64x128xf32, #tpu.memory_space<hbm>>
          %dma_start3A_305 = arith.constant 0 : i32
          %dma_start3A_306 = arith.constant 0 : i32
          %dma_start3A_307 = tpu.memref_slice %arg15[%rem3A_289, %dma_start3A_305, %dma_start3A_306] : memref<8x64x128xf32, #tpu.memory_space<vmem>> -> memref<1x64x128xf32, #tpu.memory_space<vmem>>
          %dma_start3A_308 = tpu.memref_squeeze %dma_start3A_307 : memref<1x64x128xf32, #tpu.memory_space<vmem>> -> memref<64x128xf32, #tpu.memory_space<vmem>>
          %dma_start3A_309 = arith.constant 0 : i32
          %dma_start3A_310 = tpu.memref_slice %arg3[%dma_start3A_309, %multiple_of3A_299] : memref<64x1000000xf32, #tpu.memory_space<hbm>> -> memref<64x128xf32, #tpu.memory_space<hbm>>
          tpu.enqueue_dma source(%dma_start3A_310 : memref<64x128xf32, #tpu.memory_space<hbm>>) target(%dma_start3A_308 : memref<64x128xf32, #tpu.memory_space<vmem>>) target_semaphore(%arg17 : memref<!tpu.dma_semaphore, #tpu.memory_space<semaphore_mem>>)
        } else {
        }
        %ge3A = arith.constant 999936 : i32
        %ge3A_295 = arith.cmpi sge, %mul3A_287, %ge3A : i32
        %convert_element_type3A_296 = arith.extui %ge3A_295 : i1 to i32
        %cond3A_297 = arith.constant 0 : i32
        %cond3A_298 = arith.cmpi ne, %convert_element_type3A_296, %cond3A_297 : i32
        scf.if %cond3A_298 {
          %dma_start3A = arith.constant 0 : i32
          %dma_start3A_299 = arith.constant 0 : i32
          %dma_start3A_300 = tpu.memref_slice %arg15[%rem3A_289, %dma_start3A, %dma_start3A_299] : memref<8x64x128xf32, #tpu.memory_space<vmem>> -> memref<1x64x128xf32, #tpu.memory_space<vmem>>
          %dma_start3A_301 = tpu.memref_squeeze %dma_start3A_300 : memref<1x64x128xf32, #tpu.memory_space<vmem>> -> memref<64x128xf32, #tpu.memory_space<vmem>>
          %dma_start3A_302 = arith.constant 0 : i32
          %dma_start3A_303 = arith.constant 0 : i32
          %dma_start3A_304 = tpu.memref_slice %arg15[%rem3A_289, %dma_start3A_302, %dma_start3A_303] : memref<8x64x128xf32, #tpu.memory_space<vmem>> -> memref<1x64x128xf32, #tpu.memory_space<vmem>>
          %dma_start3A_305 = tpu.memref_squeeze %dma_start3A_304 : memref<1x64x128xf32, #tpu.memory_space<vmem>> -> memref<64x128xf32, #tpu.memory_space<vmem>>
          tpu.enqueue_dma source(%arg4 : memref<64x128xf32, #tpu.memory_space<hbm>>) target(%dma_start3A_305 : memref<64x128xf32, #tpu.memory_space<vmem>>) target_semaphore(%arg17 : memref<!tpu.dma_semaphore, #tpu.memory_space<semaphore_mem>>)
        } else {
        }
      } else {
      }
      scf.yield %while3A_259 : i32
    }
    %while3A_169 = arith.constant 1 : i32
    %while3A_170 = scf.for %while3A_181 = %while3A_166 to %while3A_162 step %while3A_169 iter_args(%while3A_182 = %while3A_168) -> (i32)  : i32 {
      %rem3A = arith.constant 8 : i32
      %rem3A_183 = arith.remsi %while3A_181, %rem3A : i32
      %dma_wait3A = arith.constant 0 : i32
      %dma_wait3A_184 = arith.constant 0 : i32
      %dma_wait3A_185 = tpu.memref_slice %arg15[%rem3A_183, %dma_wait3A, %dma_wait3A_184] : memref<8x64x128xf32, #tpu.memory_space<vmem>> -> memref<1x64x128xf32, #tpu.memory_space<vmem>>
      %dma_wait3A_186 = tpu.memref_squeeze %dma_wait3A_185 : memref<1x64x128xf32, #tpu.memory_space<vmem>> -> memref<64x128xf32, #tpu.memory_space<vmem>>
      %dma_wait3A_187 = arith.constant 0 : i32
      %dma_wait3A_188 = arith.constant 0 : i32
      %dma_wait3A_189 = tpu.memref_slice %arg3[%dma_wait3A_187, %dma_wait3A_188] : memref<64x1000000xf32, #tpu.memory_space<hbm>> -> memref<64x128xf32, #tpu.memory_space<hbm>>
      %dma_wait3A_190 = arith.constant 0 : i32
      %dma_wait3A_191 = arith.constant 0 : i32
      %dma_wait3A_192 = tpu.memref_slice %arg15[%rem3A_183, %dma_wait3A_190, %dma_wait3A_191] : memref<8x64x128xf32, #tpu.memory_space<vmem>> -> memref<1x64x128xf32, #tpu.memory_space<vmem>>
      %dma_wait3A_193 = tpu.memref_squeeze %dma_wait3A_192 : memref<1x64x128xf32, #tpu.memory_space<vmem>> -> memref<64x128xf32, #tpu.memory_space<vmem>>
      %dma_wait3A_194 = arith.constant 0 : i32
      %dma_wait3A_195 = arith.constant 0 : i32
      %dma_wait3A_196 = tpu.memref_slice %arg3[%dma_wait3A_194, %dma_wait3A_195] : memref<64x1000000xf32, #tpu.memory_space<hbm>> -> memref<64x128xf32, #tpu.memory_space<hbm>>
      tpu.wait_dma2 semaphore(%arg17 : memref<!tpu.dma_semaphore, #tpu.memory_space<semaphore_mem>>) src(%dma_wait3A_196 : memref<64x128xf32, #tpu.memory_space<hbm>>) dst(%dma_wait3A_193 : memref<64x128xf32, #tpu.memory_space<vmem>>)
      %div3A = arith.constant 16 : i32
      %div3A_197 = arith.divsi %while3A_181, %div3A : i32
      %mul3A_198 = arith.constant 16 : i32
      %mul3A_199 = arith.muli %div3A_197, %mul3A_198 : i32
      %multiple_of3A = tpu.assume_multiple %mul3A_199, 16 : i32
      %get3A_200 = arith.index_cast %multiple_of3A : i32 to index
      %get3A_201 = tpu.vector_load %arg12[%get3A_200] {strides = array<i32>} : memref<272xi32, #tpu.memory_space<vmem>>, vector<16xi32>,
      %rem3A_202 = arith.constant 16 : i32
      %rem3A_203 = arith.remsi %while3A_181, %rem3A_202 : i32
      %eq3A = vector.broadcast %rem3A_203 : i32 to vector<16xi32>
      %eq3A_204 = arith.cmpi eq, %iota3A, %eq3A : vector<16xi32>
      %jit3A_205 = arith.constant 0 : i32
      %broadcast_in_dim3A_206 = vector.broadcast %jit3A_205 : i32 to vector<16xi32>
      %select_n3A_207 = arith.select %eq3A_204, %get3A_201, %broadcast_in_dim3A_206 : vector<16xi1>, vector<16xi32>
      %reduce_sum3A = arith.constant true
      %reduce_sum3A_208 = vector.broadcast %reduce_sum3A : i1 to vector<16xi1>
      %reduce_sum3A_209 = tpu.scan <sum>, %select_n3A_207 masked %reduce_sum3A_208 : vector<16xi32>, vector<16xi1> -> vector<16xi32>
      %reduce_sum3A_210 = vector.extract %reduce_sum3A_209[15] : i32 from vector<16xi32>
      %mul3A_211 = arith.constant 128 : i32
      %mul3A_212 = arith.muli %reduce_sum3A_210, %mul3A_211 : i32
      %div3A_213 = arith.constant 16 : i32
      %div3A_214 = arith.divsi %while3A_181, %div3A_213 : i32
      %mul3A_215 = arith.constant 16 : i32
      %mul3A_216 = arith.muli %div3A_214, %mul3A_215 : i32
      %multiple_of3A_217 = tpu.assume_multiple %mul3A_216, 16 : i32
      %get3A_218 = arith.index_cast %multiple_of3A_217 : i32 to index
      %get3A_219 = tpu.vector_load %arg13[%get3A_218] {strides = array<i32>} : memref<272xi32, #tpu.memory_space<vmem>>, vector<16xi32>,
      %rem3A_220 = arith.constant 16 : i32
      %rem3A_221 = arith.remsi %while3A_181, %rem3A_220 : i32
      %eq3A_222 = vector.broadcast %rem3A_221 : i32 to vector<16xi32>
      %eq3A_223 = arith.cmpi eq, %iota3A, %eq3A_222 : vector<16xi32>
      %jit3A_224 = arith.constant 0 : i32
      %broadcast_in_dim3A_225 = vector.broadcast %jit3A_224 : i32 to vector<16xi32>
      %select_n3A_226 = arith.select %eq3A_223, %get3A_219, %broadcast_in_dim3A_225 : vector<16xi1>, vector<16xi32>
      %reduce_sum3A_227 = arith.constant true
      %reduce_sum3A_228 = vector.broadcast %reduce_sum3A_227 : i1 to vector<16xi1>
      %reduce_sum3A_229 = tpu.scan <sum>, %select_n3A_226 masked %reduce_sum3A_228 : vector<16xi32>, vector<16xi1> -> vector<16xi32>
      %reduce_sum3A_230 = vector.extract %reduce_sum3A_229[15] : i32 from vector<16xi32>
      %div3A_231 = arith.constant 16 : i32
      %div3A_232 = arith.divsi %while3A_181, %div3A_231 : i32
      %mul3A_233 = arith.constant 16 : i32
      %mul3A_234 = arith.muli %div3A_232, %mul3A_233 : i32
      %multiple_of3A_235 = tpu.assume_multiple %mul3A_234, 16 : i32
      %get3A_236 = arith.index_cast %multiple_of3A_235 : i32 to index
      %get3A_237 = tpu.vector_load %arg14[%get3A_236] {strides = array<i32>} : memref<272xi32, #tpu.memory_space<vmem>>, vector<16xi32>,
      %rem3A_238 = arith.constant 16 : i32
      %rem3A_239 = arith.remsi %while3A_181, %rem3A_238 : i32
      %eq3A_240 = vector.broadcast %rem3A_239 : i32 to vector<16xi32>
      %eq3A_241 = arith.cmpi eq, %iota3A, %eq3A_240 : vector<16xi32>
      %jit3A_242 = arith.constant 0 : i32
      %broadcast_in_dim3A_243 = vector.broadcast %jit3A_242 : i32 to vector<16xi32>
      %select_n3A_244 = arith.select %eq3A_241, %get3A_237, %broadcast_in_dim3A_243 : vector<16xi1>, vector<16xi32>
      %reduce_sum3A_245 = arith.constant true
      %reduce_sum3A_246 = vector.broadcast %reduce_sum3A_245 : i1 to vector<16xi1>
      %reduce_sum3A_247 = tpu.scan <sum>, %select_n3A_244 masked %reduce_sum3A_246 : vector<16xi32>, vector<16xi1> -> vector<16xi32>
      %reduce_sum3A_248 = vector.extract %reduce_sum3A_247[15] : i32 from vector<16xi32>
      %broadcast_in_dim3A_249 = vector.broadcast %rem3A_183 : i32 to vector<16xi32>
      %while3A_250 = arith.subi %reduce_sum3A_248, %reduce_sum3A_230 : i32
      %while3A_251 = arith.addi %reduce_sum3A_230, %while3A_250 : i32
      %while3A_252 = arith.constant 1 : i32
      %while3A_253 = arith.divsi %while3A_250, %while3A_252 : i32
      %while3A_254 = arith.muli %while3A_253, %while3A_252 : i32
      %while3A_255 = arith.addi %reduce_sum3A_230, %while3A_254 : i32
      %while3A_256 = arith.constant 1 : i32
      %while3A_257 = scf.for %while3A_266 = %reduce_sum3A_230 to %while3A_255 step %while3A_256 iter_args(%while3A_267 = %while3A_182) -> (i32)  : i32 {
        %div3A_268 = arith.constant 16 : i32
        %div3A_269 = arith.divsi %while3A_266, %div3A_268 : i32
        %mul3A_270 = arith.constant 16 : i32
        %mul3A_271 = arith.muli %div3A_269, %mul3A_270 : i32
        %multiple_of3A_272 = tpu.assume_multiple %mul3A_271, 16 : i32
        %get3A_273 = arith.index_cast %multiple_of3A_272 : i32 to index
        %get3A_274 = tpu.vector_load %arg7[%get3A_273] {strides = array<i32>} : memref<16384xi32, #tpu.memory_space<vmem>>, vector<16xi32>,
        %rem3A_275 = arith.constant 16 : i32
        %rem3A_276 = arith.remsi %while3A_266, %rem3A_275 : i32
        %eq3A_277 = vector.broadcast %rem3A_276 : i32 to vector<16xi32>
        %eq3A_278 = arith.cmpi eq, %iota3A, %eq3A_277 : vector<16xi32>
        %jit3A_279 = arith.constant 0 : i32
        %broadcast_in_dim3A_280 = vector.broadcast %jit3A_279 : i32 to vector<16xi32>
        %select_n3A_281 = arith.select %eq3A_278, %get3A_274, %broadcast_in_dim3A_280 : vector<16xi1>, vector<16xi32>
        %reduce_sum3A_282 = arith.constant true
        %reduce_sum3A_283 = vector.broadcast %reduce_sum3A_282 : i1 to vector<16xi1>
        %reduce_sum3A_284 = tpu.scan <sum>, %select_n3A_281 masked %reduce_sum3A_283 : vector<16xi32>, vector<16xi1> -> vector<16xi32>
        %reduce_sum3A_285 = vector.extract %reduce_sum3A_284[15] : i32 from vector<16xi32>
        %div3A_286 = arith.constant 16 : i32
        %div3A_287 = arith.divsi %while3A_266, %div3A_286 : i32
        %mul3A_288 = arith.constant 16 : i32
        %mul3A_289 = arith.muli %div3A_287, %mul3A_288 : i32
        %multiple_of3A_290 = tpu.assume_multiple %mul3A_289, 16 : i32
        %get3A_291 = arith.index_cast %multiple_of3A_290 : i32 to index
        %get3A_292 = tpu.vector_load %arg8[%get3A_291] {strides = array<i32>} : memref<16384xi32, #tpu.memory_space<vmem>>, vector<16xi32>,
        %rem3A_293 = arith.constant 16 : i32
        %rem3A_294 = arith.remsi %while3A_266, %rem3A_293 : i32
        %eq3A_295 = vector.broadcast %rem3A_294 : i32 to vector<16xi32>
        %eq3A_296 = arith.cmpi eq, %iota3A, %eq3A_295 : vector<16xi32>
        %jit3A_297 = arith.constant 0 : i32
        %broadcast_in_dim3A_298 = vector.broadcast %jit3A_297 : i32 to vector<16xi32>
        %select_n3A_299 = arith.select %eq3A_296, %get3A_292, %broadcast_in_dim3A_298 : vector<16xi1>, vector<16xi32>
        %reduce_sum3A_300 = arith.constant true
        %reduce_sum3A_301 = vector.broadcast %reduce_sum3A_300 : i1 to vector<16xi1>
        %reduce_sum3A_302 = tpu.scan <sum>, %select_n3A_299 masked %reduce_sum3A_301 : vector<16xi32>, vector<16xi1> -> vector<16xi32>
        %reduce_sum3A_303 = vector.extract %reduce_sum3A_302[15] : i32 from vector<16xi32>
        %lt3A_304 = arith.constant 999936 : i32
        %lt3A_305 = arith.cmpi slt, %mul3A_212, %lt3A_304 : i32
        %sub3A = arith.subi %reduce_sum3A_285, %mul3A_212 : i32
        %sub3A_306 = arith.constant 999872 : i32
        %sub3A_307 = arith.subi %reduce_sum3A_285, %sub3A_306 : i32
        %select_n3A_308 = arith.select %lt3A_305, %sub3A, %sub3A_307 : i32
        %broadcast_in_dim3A_309 = vector.broadcast %select_n3A_308 : i32 to vector<16xi32>
        %rem3A_310 = arith.constant 64 : i32
        %rem3A_311 = arith.remsi %while3A_267, %rem3A_310 : i32
        %ge3A = arith.constant 64 : i32
        %ge3A_312 = arith.cmpi sge, %while3A_267, %ge3A : i32
        %convert_element_type3A_313 = arith.extui %ge3A_312 : i1 to i32
        %cond3A_314 = arith.constant 0 : i32
        %cond3A_315 = arith.cmpi ne, %convert_element_type3A_313, %cond3A_314 : i32
        scf.if %cond3A_315 {
          %dma_wait3A_369 = arith.constant 0 : i32
          %dma_wait3A_370 = tpu.memref_slice %arg16[%dma_wait3A_369] : memref<4096xf32, #tpu.memory_space<vmem>> -> memref<64xf32, #tpu.memory_space<vmem>>
          %dma_wait3A_371 = arith.constant 0 : i32
          %dma_wait3A_372 = tpu.memref_slice %arg5[%dma_wait3A_371] : memref<1048576xf32, #tpu.memory_space<hbm>> -> memref<64xf32, #tpu.memory_space<hbm>>
          %dma_wait3A_373 = arith.constant 0 : i32
          %dma_wait3A_374 = tpu.memref_slice %arg5[%dma_wait3A_373] : memref<1048576xf32, #tpu.memory_space<hbm>> -> memref<64xf32, #tpu.memory_space<hbm>>
          %dma_wait3A_375 = arith.constant 0 : i32
          %dma_wait3A_376 = tpu.memref_slice %arg16[%dma_wait3A_375] : memref<4096xf32, #tpu.memory_space<vmem>> -> memref<64xf32, #tpu.memory_space<vmem>>
          tpu.wait_dma2 semaphore(%arg18 : memref<!tpu.dma_semaphore, #tpu.memory_space<semaphore_mem>>) src(%dma_wait3A_376 : memref<64xf32, #tpu.memory_space<vmem>>) dst(%dma_wait3A_374 : memref<64xf32, #tpu.memory_space<hbm>>)
        } else {
        }
        %add3A_316 = arith.constant 0 : i32
        %add3A_317 = vector.broadcast %add3A_316 : i32 to vector<16xi32>
        %add3A_318 = arith.addi %iota3A, %add3A_317 : vector<16xi32>
        %gather3A = tpu.vector_load_idx %arg15[%broadcast_in_dim3A_249, %add3A_318, %broadcast_in_dim3A_309] : memref<8x64x128xf32, #tpu.memory_space<vmem>>[vector<16xi32>, vector<16xi32>, vector<16xi32>], vector<16xf32>,
        %mul3A_319 = arith.constant 64 : i32
        %mul3A_320 = arith.muli %rem3A_311, %mul3A_319 : i32
        %add3A_321 = arith.constant 0 : i32
        %add3A_322 = arith.addi %mul3A_320, %add3A_321 : i32
        %multiple_of3A_323 = tpu.assume_multiple %add3A_322, 16 : i32
        %swap3A_324 = arith.index_cast %multiple_of3A_323 : i32 to index
        %swap3A_325 = tpu.vector_load %arg16[%swap3A_324] {strides = array<i32>} : memref<4096xf32, #tpu.memory_space<vmem>>, vector<16xf32>,
        tpu.vector_store %arg16[%swap3A_324], %gather3A {strides = array<i32>} : memref<4096xf32, #tpu.memory_space<vmem>>, vector<16xf32>,
        %add3A_326 = arith.constant 16 : i32
        %add3A_327 = vector.broadcast %add3A_326 : i32 to vector<16xi32>
        %add3A_328 = arith.addi %iota3A, %add3A_327 : vector<16xi32>
        %gather3A_329 = tpu.vector_load_idx %arg15[%broadcast_in_dim3A_249, %add3A_328, %broadcast_in_dim3A_309] : memref<8x64x128xf32, #tpu.memory_space<vmem>>[vector<16xi32>, vector<16xi32>, vector<16xi32>], vector<16xf32>,
        %mul3A_330 = arith.constant 64 : i32
        %mul3A_331 = arith.muli %rem3A_311, %mul3A_330 : i32
        %add3A_332 = arith.constant 16 : i32
        %add3A_333 = arith.addi %mul3A_331, %add3A_332 : i32
        %multiple_of3A_334 = tpu.assume_multiple %add3A_333, 16 : i32
        %swap3A_335 = arith.index_cast %multiple_of3A_334 : i32 to index
        %swap3A_336 = tpu.vector_load %arg16[%swap3A_335] {strides = array<i32>} : memref<4096xf32, #tpu.memory_space<vmem>>, vector<16xf32>,
        tpu.vector_store %arg16[%swap3A_335], %gather3A_329 {strides = array<i32>} : memref<4096xf32, #tpu.memory_space<vmem>>, vector<16xf32>,
        %add3A_337 = arith.constant 32 : i32
        %add3A_338 = vector.broadcast %add3A_337 : i32 to vector<16xi32>
        %add3A_339 = arith.addi %iota3A, %add3A_338 : vector<16xi32>
        %gather3A_340 = tpu.vector_load_idx %arg15[%broadcast_in_dim3A_249, %add3A_339, %broadcast_in_dim3A_309] : memref<8x64x128xf32, #tpu.memory_space<vmem>>[vector<16xi32>, vector<16xi32>, vector<16xi32>], vector<16xf32>,
        %mul3A_341 = arith.constant 64 : i32
        %mul3A_342 = arith.muli %rem3A_311, %mul3A_341 : i32
        %add3A_343 = arith.constant 32 : i32
        %add3A_344 = arith.addi %mul3A_342, %add3A_343 : i32
        %multiple_of3A_345 = tpu.assume_multiple %add3A_344, 16 : i32
        %swap3A_346 = arith.index_cast %multiple_of3A_345 : i32 to index
        %swap3A_347 = tpu.vector_load %arg16[%swap3A_346] {strides = array<i32>} : memref<4096xf32, #tpu.memory_space<vmem>>, vector<16xf32>,
        tpu.vector_store %arg16[%swap3A_346], %gather3A_340 {strides = array<i32>} : memref<4096xf32, #tpu.memory_space<vmem>>, vector<16xf32>,
        %add3A_348 = arith.constant 48 : i32
        %add3A_349 = vector.broadcast %add3A_348 : i32 to vector<16xi32>
        %add3A_350 = arith.addi %iota3A, %add3A_349 : vector<16xi32>
        %gather3A_351 = tpu.vector_load_idx %arg15[%broadcast_in_dim3A_249, %add3A_350, %broadcast_in_dim3A_309] : memref<8x64x128xf32, #tpu.memory_space<vmem>>[vector<16xi32>, vector<16xi32>, vector<16xi32>], vector<16xf32>,
        %mul3A_352 = arith.constant 64 : i32
        %mul3A_353 = arith.muli %rem3A_311, %mul3A_352 : i32
        %add3A_354 = arith.constant 48 : i32
        %add3A_355 = arith.addi %mul3A_353, %add3A_354 : i32
        %multiple_of3A_356 = tpu.assume_multiple %add3A_355, 16 : i32
        %swap3A_357 = arith.index_cast %multiple_of3A_356 : i32 to index
        %swap3A_358 = tpu.vector_load %arg16[%swap3A_357] {strides = array<i32>} : memref<4096xf32, #tpu.memory_space<vmem>>, vector<16xf32>,
        tpu.vector_store %arg16[%swap3A_357], %gather3A_351 {strides = array<i32>} : memref<4096xf32, #tpu.memory_space<vmem>>, vector<16xf32>,
        %mul3A_359 = arith.constant 64 : i32
        %mul3A_360 = arith.muli %rem3A_311, %mul3A_359 : i32
        %multiple_of3A_361 = tpu.assume_multiple %mul3A_360, 16 : i32
        %mul3A_362 = arith.constant 64 : i32
        %mul3A_363 = arith.muli %reduce_sum3A_303, %mul3A_362 : i32
        %dma_start3A = tpu.memref_slice %arg16[%multiple_of3A_361] : memref<4096xf32, #tpu.memory_space<vmem>> -> memref<64xf32, #tpu.memory_space<vmem>>
        %dma_start3A_364 = tpu.memref_slice %arg5[%mul3A_363] : memref<1048576xf32, #tpu.memory_space<hbm>> -> memref<64xf32, #tpu.memory_space<hbm>>
        %dma_start3A_365 = tpu.memref_slice %arg5[%mul3A_363] : memref<1048576xf32, #tpu.memory_space<hbm>> -> memref<64xf32, #tpu.memory_space<hbm>>
        %dma_start3A_366 = tpu.memref_slice %arg16[%multiple_of3A_361] : memref<4096xf32, #tpu.memory_space<vmem>> -> memref<64xf32, #tpu.memory_space<vmem>>
        tpu.enqueue_dma source(%dma_start3A_366 : memref<64xf32, #tpu.memory_space<vmem>>) target(%dma_start3A_365 : memref<64xf32, #tpu.memory_space<hbm>>) target_semaphore(%arg18 : memref<!tpu.dma_semaphore, #tpu.memory_space<semaphore_mem>>)
        %add3A_367 = arith.constant 1 : i32
        %add3A_368 = arith.addi %while3A_267, %add3A_367 : i32
        scf.yield %add3A_368 : i32
      }
      %while3A_258 = arith.constant 1 : i32
      %while3A_259 = scf.for %while3A_266 = %while3A_255 to %while3A_251 step %while3A_258 iter_args(%while3A_267 = %while3A_257) -> (i32)  : i32 {
        %div3A_268 = arith.constant 16 : i32
        %div3A_269 = arith.divsi %while3A_266, %div3A_268 : i32
        %mul3A_270 = arith.constant 16 : i32
        %mul3A_271 = arith.muli %div3A_269, %mul3A_270 : i32
        %multiple_of3A_272 = tpu.assume_multiple %mul3A_271, 16 : i32
        %get3A_273 = arith.index_cast %multiple_of3A_272 : i32 to index
        %get3A_274 = tpu.vector_load %arg7[%get3A_273] {strides = array<i32>} : memref<16384xi32, #tpu.memory_space<vmem>>, vector<16xi32>,
        %rem3A_275 = arith.constant 16 : i32
        %rem3A_276 = arith.remsi %while3A_266, %rem3A_275 : i32
        %eq3A_277 = vector.broadcast %rem3A_276 : i32 to vector<16xi32>
        %eq3A_278 = arith.cmpi eq, %iota3A, %eq3A_277 : vector<16xi32>
        %jit3A_279 = arith.constant 0 : i32
        %broadcast_in_dim3A_280 = vector.broadcast %jit3A_279 : i32 to vector<16xi32>
        %select_n3A_281 = arith.select %eq3A_278, %get3A_274, %broadcast_in_dim3A_280 : vector<16xi1>, vector<16xi32>
        %reduce_sum3A_282 = arith.constant true
        %reduce_sum3A_283 = vector.broadcast %reduce_sum3A_282 : i1 to vector<16xi1>
        %reduce_sum3A_284 = tpu.scan <sum>, %select_n3A_281 masked %reduce_sum3A_283 : vector<16xi32>, vector<16xi1> -> vector<16xi32>
        %reduce_sum3A_285 = vector.extract %reduce_sum3A_284[15] : i32 from vector<16xi32>
        %div3A_286 = arith.constant 16 : i32
        %div3A_287 = arith.divsi %while3A_266, %div3A_286 : i32
        %mul3A_288 = arith.constant 16 : i32
        %mul3A_289 = arith.muli %div3A_287, %mul3A_288 : i32
        %multiple_of3A_290 = tpu.assume_multiple %mul3A_289, 16 : i32
        %get3A_291 = arith.index_cast %multiple_of3A_290 : i32 to index
        %get3A_292 = tpu.vector_load %arg8[%get3A_291] {strides = array<i32>} : memref<16384xi32, #tpu.memory_space<vmem>>, vector<16xi32>,
        %rem3A_293 = arith.constant 16 : i32
        %rem3A_294 = arith.remsi %while3A_266, %rem3A_293 : i32
        %eq3A_295 = vector.broadcast %rem3A_294 : i32 to vector<16xi32>
        %eq3A_296 = arith.cmpi eq, %iota3A, %eq3A_295 : vector<16xi32>
        %jit3A_297 = arith.constant 0 : i32
        %broadcast_in_dim3A_298 = vector.broadcast %jit3A_297 : i32 to vector<16xi32>
        %select_n3A_299 = arith.select %eq3A_296, %get3A_292, %broadcast_in_dim3A_298 : vector<16xi1>, vector<16xi32>
        %reduce_sum3A_300 = arith.constant true
        %reduce_sum3A_301 = vector.broadcast %reduce_sum3A_300 : i1 to vector<16xi1>
        %reduce_sum3A_302 = tpu.scan <sum>, %select_n3A_299 masked %reduce_sum3A_301 : vector<16xi32>, vector<16xi1> -> vector<16xi32>
        %reduce_sum3A_303 = vector.extract %reduce_sum3A_302[15] : i32 from vector<16xi32>
        %lt3A_304 = arith.constant 999936 : i32
        %lt3A_305 = arith.cmpi slt, %mul3A_212, %lt3A_304 : i32
        %sub3A = arith.subi %reduce_sum3A_285, %mul3A_212 : i32
        %sub3A_306 = arith.constant 999872 : i32
        %sub3A_307 = arith.subi %reduce_sum3A_285, %sub3A_306 : i32
        %select_n3A_308 = arith.select %lt3A_305, %sub3A, %sub3A_307 : i32
        %broadcast_in_dim3A_309 = vector.broadcast %select_n3A_308 : i32 to vector<16xi32>
        %rem3A_310 = arith.constant 64 : i32
        %rem3A_311 = arith.remsi %while3A_267, %rem3A_310 : i32
        %ge3A = arith.constant 64 : i32
        %ge3A_312 = arith.cmpi sge, %while3A_267, %ge3A : i32
        %convert_element_type3A_313 = arith.extui %ge3A_312 : i1 to i32
        %cond3A_314 = arith.constant 0 : i32
        %cond3A_315 = arith.cmpi ne, %convert_element_type3A_313, %cond3A_314 : i32
        scf.if %cond3A_315 {
          %dma_wait3A_369 = arith.constant 0 : i32
          %dma_wait3A_370 = tpu.memref_slice %arg16[%dma_wait3A_369] : memref<4096xf32, #tpu.memory_space<vmem>> -> memref<64xf32, #tpu.memory_space<vmem>>
          %dma_wait3A_371 = arith.constant 0 : i32
          %dma_wait3A_372 = tpu.memref_slice %arg5[%dma_wait3A_371] : memref<1048576xf32, #tpu.memory_space<hbm>> -> memref<64xf32, #tpu.memory_space<hbm>>
          %dma_wait3A_373 = arith.constant 0 : i32
          %dma_wait3A_374 = tpu.memref_slice %arg5[%dma_wait3A_373] : memref<1048576xf32, #tpu.memory_space<hbm>> -> memref<64xf32, #tpu.memory_space<hbm>>
          %dma_wait3A_375 = arith.constant 0 : i32
          %dma_wait3A_376 = tpu.memref_slice %arg16[%dma_wait3A_375] : memref<4096xf32, #tpu.memory_space<vmem>> -> memref<64xf32, #tpu.memory_space<vmem>>
          tpu.wait_dma2 semaphore(%arg18 : memref<!tpu.dma_semaphore, #tpu.memory_space<semaphore_mem>>) src(%dma_wait3A_376 : memref<64xf32, #tpu.memory_space<vmem>>) dst(%dma_wait3A_374 : memref<64xf32, #tpu.memory_space<hbm>>)
        } else {
        }
        %add3A_316 = arith.constant 0 : i32
        %add3A_317 = vector.broadcast %add3A_316 : i32 to vector<16xi32>
        %add3A_318 = arith.addi %iota3A, %add3A_317 : vector<16xi32>
        %gather3A = tpu.vector_load_idx %arg15[%broadcast_in_dim3A_249, %add3A_318, %broadcast_in_dim3A_309] : memref<8x64x128xf32, #tpu.memory_space<vmem>>[vector<16xi32>, vector<16xi32>, vector<16xi32>], vector<16xf32>,
        %mul3A_319 = arith.constant 64 : i32
        %mul3A_320 = arith.muli %rem3A_311, %mul3A_319 : i32
        %add3A_321 = arith.constant 0 : i32
        %add3A_322 = arith.addi %mul3A_320, %add3A_321 : i32
        %multiple_of3A_323 = tpu.assume_multiple %add3A_322, 16 : i32
        %swap3A_324 = arith.index_cast %multiple_of3A_323 : i32 to index
        %swap3A_325 = tpu.vector_load %arg16[%swap3A_324] {strides = array<i32>} : memref<4096xf32, #tpu.memory_space<vmem>>, vector<16xf32>,
        tpu.vector_store %arg16[%swap3A_324], %gather3A {strides = array<i32>} : memref<4096xf32, #tpu.memory_space<vmem>>, vector<16xf32>,
        %add3A_326 = arith.constant 16 : i32
        %add3A_327 = vector.broadcast %add3A_326 : i32 to vector<16xi32>
        %add3A_328 = arith.addi %iota3A, %add3A_327 : vector<16xi32>
        %gather3A_329 = tpu.vector_load_idx %arg15[%broadcast_in_dim3A_249, %add3A_328, %broadcast_in_dim3A_309] : memref<8x64x128xf32, #tpu.memory_space<vmem>>[vector<16xi32>, vector<16xi32>, vector<16xi32>], vector<16xf32>,
        %mul3A_330 = arith.constant 64 : i32
        %mul3A_331 = arith.muli %rem3A_311, %mul3A_330 : i32
        %add3A_332 = arith.constant 16 : i32
        %add3A_333 = arith.addi %mul3A_331, %add3A_332 : i32
        %multiple_of3A_334 = tpu.assume_multiple %add3A_333, 16 : i32
        %swap3A_335 = arith.index_cast %multiple_of3A_334 : i32 to index
        %swap3A_336 = tpu.vector_load %arg16[%swap3A_335] {strides = array<i32>} : memref<4096xf32, #tpu.memory_space<vmem>>, vector<16xf32>,
        tpu.vector_store %arg16[%swap3A_335], %gather3A_329 {strides = array<i32>} : memref<4096xf32, #tpu.memory_space<vmem>>, vector<16xf32>,
        %add3A_337 = arith.constant 32 : i32
        %add3A_338 = vector.broadcast %add3A_337 : i32 to vector<16xi32>
        %add3A_339 = arith.addi %iota3A, %add3A_338 : vector<16xi32>
        %gather3A_340 = tpu.vector_load_idx %arg15[%broadcast_in_dim3A_249, %add3A_339, %broadcast_in_dim3A_309] : memref<8x64x128xf32, #tpu.memory_space<vmem>>[vector<16xi32>, vector<16xi32>, vector<16xi32>], vector<16xf32>,
        %mul3A_341 = arith.constant 64 : i32
        %mul3A_342 = arith.muli %rem3A_311, %mul3A_341 : i32
        %add3A_343 = arith.constant 32 : i32
        %add3A_344 = arith.addi %mul3A_342, %add3A_343 : i32
        %multiple_of3A_345 = tpu.assume_multiple %add3A_344, 16 : i32
        %swap3A_346 = arith.index_cast %multiple_of3A_345 : i32 to index
        %swap3A_347 = tpu.vector_load %arg16[%swap3A_346] {strides = array<i32>} : memref<4096xf32, #tpu.memory_space<vmem>>, vector<16xf32>,
        tpu.vector_store %arg16[%swap3A_346], %gather3A_340 {strides = array<i32>} : memref<4096xf32, #tpu.memory_space<vmem>>, vector<16xf32>,
        %add3A_348 = arith.constant 48 : i32
        %add3A_349 = vector.broadcast %add3A_348 : i32 to vector<16xi32>
        %add3A_350 = arith.addi %iota3A, %add3A_349 : vector<16xi32>
        %gather3A_351 = tpu.vector_load_idx %arg15[%broadcast_in_dim3A_249, %add3A_350, %broadcast_in_dim3A_309] : memref<8x64x128xf32, #tpu.memory_space<vmem>>[vector<16xi32>, vector<16xi32>, vector<16xi32>], vector<16xf32>,
        %mul3A_352 = arith.constant 64 : i32
        %mul3A_353 = arith.muli %rem3A_311, %mul3A_352 : i32
        %add3A_354 = arith.constant 48 : i32
        %add3A_355 = arith.addi %mul3A_353, %add3A_354 : i32
        %multiple_of3A_356 = tpu.assume_multiple %add3A_355, 16 : i32
        %swap3A_357 = arith.index_cast %multiple_of3A_356 : i32 to index
        %swap3A_358 = tpu.vector_load %arg16[%swap3A_357] {strides = array<i32>} : memref<4096xf32, #tpu.memory_space<vmem>>, vector<16xf32>,
        tpu.vector_store %arg16[%swap3A_357], %gather3A_351 {strides = array<i32>} : memref<4096xf32, #tpu.memory_space<vmem>>, vector<16xf32>,
        %mul3A_359 = arith.constant 64 : i32
        %mul3A_360 = arith.muli %rem3A_311, %mul3A_359 : i32
        %multiple_of3A_361 = tpu.assume_multiple %mul3A_360, 16 : i32
        %mul3A_362 = arith.constant 64 : i32
        %mul3A_363 = arith.muli %reduce_sum3A_303, %mul3A_362 : i32
        %dma_start3A = tpu.memref_slice %arg16[%multiple_of3A_361] : memref<4096xf32, #tpu.memory_space<vmem>> -> memref<64xf32, #tpu.memory_space<vmem>>
        %dma_start3A_364 = tpu.memref_slice %arg5[%mul3A_363] : memref<1048576xf32, #tpu.memory_space<hbm>> -> memref<64xf32, #tpu.memory_space<hbm>>
        %dma_start3A_365 = tpu.memref_slice %arg5[%mul3A_363] : memref<1048576xf32, #tpu.memory_space<hbm>> -> memref<64xf32, #tpu.memory_space<hbm>>
        %dma_start3A_366 = tpu.memref_slice %arg16[%multiple_of3A_361] : memref<4096xf32, #tpu.memory_space<vmem>> -> memref<64xf32, #tpu.memory_space<vmem>>
        tpu.enqueue_dma source(%dma_start3A_366 : memref<64xf32, #tpu.memory_space<vmem>>) target(%dma_start3A_365 : memref<64xf32, #tpu.memory_space<hbm>>) target_semaphore(%arg18 : memref<!tpu.dma_semaphore, #tpu.memory_space<semaphore_mem>>)
        %add3A_367 = arith.constant 1 : i32
        %add3A_368 = arith.addi %while3A_267, %add3A_367 : i32
        scf.yield %add3A_368 : i32
      }
      %add3A_260 = arith.constant 8 : i32
      %add3A_261 = arith.addi %while3A_181, %add3A_260 : i32
      %lt3A_262 = arith.cmpi slt, %add3A_261, %scan3A_121 : i32
      %convert_element_type3A_263 = arith.extui %lt3A_262 : i1 to i32
      %cond3A_264 = arith.constant 0 : i32
      %cond3A_265 = arith.cmpi ne, %convert_element_type3A_263, %cond3A_264 : i32
      scf.if %cond3A_265 {
        %add3A_266 = arith.constant 8 : i32
        %add3A_267 = arith.addi %while3A_181, %add3A_266 : i32
        %div3A_268 = arith.constant 16 : i32
        %div3A_269 = arith.divsi %add3A_267, %div3A_268 : i32
        %mul3A_270 = arith.constant 16 : i32
        %mul3A_271 = arith.muli %div3A_269, %mul3A_270 : i32
        %multiple_of3A_272 = tpu.assume_multiple %mul3A_271, 16 : i32
        %get3A_273 = arith.index_cast %multiple_of3A_272 : i32 to index
        %get3A_274 = tpu.vector_load %arg12[%get3A_273] {strides = array<i32>} : memref<272xi32, #tpu.memory_space<vmem>>, vector<16xi32>,
        %rem3A_275 = arith.constant 16 : i32
        %rem3A_276 = arith.remsi %add3A_267, %rem3A_275 : i32
        %eq3A_277 = vector.broadcast %rem3A_276 : i32 to vector<16xi32>
        %eq3A_278 = arith.cmpi eq, %iota3A, %eq3A_277 : vector<16xi32>
        %jit3A_279 = arith.constant 0 : i32
        %broadcast_in_dim3A_280 = vector.broadcast %jit3A_279 : i32 to vector<16xi32>
        %select_n3A_281 = arith.select %eq3A_278, %get3A_274, %broadcast_in_dim3A_280 : vector<16xi1>, vector<16xi32>
        %reduce_sum3A_282 = arith.constant true
        %reduce_sum3A_283 = vector.broadcast %reduce_sum3A_282 : i1 to vector<16xi1>
        %reduce_sum3A_284 = tpu.scan <sum>, %select_n3A_281 masked %reduce_sum3A_283 : vector<16xi32>, vector<16xi1> -> vector<16xi32>
        %reduce_sum3A_285 = vector.extract %reduce_sum3A_284[15] : i32 from vector<16xi32>
        %mul3A_286 = arith.constant 128 : i32
        %mul3A_287 = arith.muli %reduce_sum3A_285, %mul3A_286 : i32
        %rem3A_288 = arith.constant 8 : i32
        %rem3A_289 = arith.remsi %add3A_267, %rem3A_288 : i32
        %lt3A_290 = arith.constant 999936 : i32
        %lt3A_291 = arith.cmpi slt, %mul3A_287, %lt3A_290 : i32
        %convert_element_type3A_292 = arith.extui %lt3A_291 : i1 to i32
        %cond3A_293 = arith.constant 0 : i32
        %cond3A_294 = arith.cmpi ne, %convert_element_type3A_292, %cond3A_293 : i32
        scf.if %cond3A_294 {
          %multiple_of3A_299 = tpu.assume_multiple %mul3A_287, 128 : i32
          %dma_start3A = arith.constant 0 : i32
          %dma_start3A_300 = arith.constant 0 : i32
          %dma_start3A_301 = tpu.memref_slice %arg15[%rem3A_289, %dma_start3A, %dma_start3A_300] : memref<8x64x128xf32, #tpu.memory_space<vmem>> -> memref<1x64x128xf32, #tpu.memory_space<vmem>>
          %dma_start3A_302 = tpu.memref_squeeze %dma_start3A_301 : memref<1x64x128xf32, #tpu.memory_space<vmem>> -> memref<64x128xf32, #tpu.memory_space<vmem>>
          %dma_start3A_303 = arith.constant 0 : i32
          %dma_start3A_304 = tpu.memref_slice %arg3[%dma_start3A_303, %multiple_of3A_299] : memref<64x1000000xf32, #tpu.memory_space<hbm>> -> memref<64x128xf32, #tpu.memory_space<hbm>>
          %dma_start3A_305 = arith.constant 0 : i32
          %dma_start3A_306 = arith.constant 0 : i32
          %dma_start3A_307 = tpu.memref_slice %arg15[%rem3A_289, %dma_start3A_305, %dma_start3A_306] : memref<8x64x128xf32, #tpu.memory_space<vmem>> -> memref<1x64x128xf32, #tpu.memory_space<vmem>>
          %dma_start3A_308 = tpu.memref_squeeze %dma_start3A_307 : memref<1x64x128xf32, #tpu.memory_space<vmem>> -> memref<64x128xf32, #tpu.memory_space<vmem>>
          %dma_start3A_309 = arith.constant 0 : i32
          %dma_start3A_310 = tpu.memref_slice %arg3[%dma_start3A_309, %multiple_of3A_299] : memref<64x1000000xf32, #tpu.memory_space<hbm>> -> memref<64x128xf32, #tpu.memory_space<hbm>>
          tpu.enqueue_dma source(%dma_start3A_310 : memref<64x128xf32, #tpu.memory_space<hbm>>) target(%dma_start3A_308 : memref<64x128xf32, #tpu.memory_space<vmem>>) target_semaphore(%arg17 : memref<!tpu.dma_semaphore, #tpu.memory_space<semaphore_mem>>)
        } else {
        }
        %ge3A = arith.constant 999936 : i32
        %ge3A_295 = arith.cmpi sge, %mul3A_287, %ge3A : i32
        %convert_element_type3A_296 = arith.extui %ge3A_295 : i1 to i32
        %cond3A_297 = arith.constant 0 : i32
        %cond3A_298 = arith.cmpi ne, %convert_element_type3A_296, %cond3A_297 : i32
        scf.if %cond3A_298 {
          %dma_start3A = arith.constant 0 : i32
          %dma_start3A_299 = arith.constant 0 : i32
          %dma_start3A_300 = tpu.memref_slice %arg15[%rem3A_289, %dma_start3A, %dma_start3A_299] : memref<8x64x128xf32, #tpu.memory_space<vmem>> -> memref<1x64x128xf32, #tpu.memory_space<vmem>>
          %dma_start3A_301 = tpu.memref_squeeze %dma_start3A_300 : memref<1x64x128xf32, #tpu.memory_space<vmem>> -> memref<64x128xf32, #tpu.memory_space<vmem>>
          %dma_start3A_302 = arith.constant 0 : i32
          %dma_start3A_303 = arith.constant 0 : i32
          %dma_start3A_304 = tpu.memref_slice %arg15[%rem3A_289, %dma_start3A_302, %dma_start3A_303] : memref<8x64x128xf32, #tpu.memory_space<vmem>> -> memref<1x64x128xf32, #tpu.memory_space<vmem>>
          %dma_start3A_305 = tpu.memref_squeeze %dma_start3A_304 : memref<1x64x128xf32, #tpu.memory_space<vmem>> -> memref<64x128xf32, #tpu.memory_space<vmem>>
          tpu.enqueue_dma source(%arg4 : memref<64x128xf32, #tpu.memory_space<hbm>>) target(%dma_start3A_305 : memref<64x128xf32, #tpu.memory_space<vmem>>) target_semaphore(%arg17 : memref<!tpu.dma_semaphore, #tpu.memory_space<semaphore_mem>>)
        } else {
        }
      } else {
      }
      scf.yield %while3A_259 : i32
    }
    %lt3A = arith.constant 64 : i32
    %lt3A_171 = arith.cmpi slt, %while3A_170, %lt3A : i32
    %jit3A = arith.constant 64 : i32
    %select_n3A = arith.select %lt3A_171, %while3A_170, %jit3A : i32
    %while3A_172 = arith.constant 0 : i32
    %while3A_173 = arith.subi %select_n3A, %while3A_172 : i32
    %while3A_174 = arith.addi %while3A_172, %while3A_173 : i32
    %while3A_175 = arith.constant 1 : i32
    %while3A_176 = arith.divsi %while3A_173, %while3A_175 : i32
    %while3A_177 = arith.muli %while3A_176, %while3A_175 : i32
    %while3A_178 = arith.addi %while3A_172, %while3A_177 : i32
    %while3A_179 = arith.constant 1 : i32
    scf.for %while3A_181 = %while3A_172 to %while3A_178 step %while3A_179  : i32 {
      %dma_wait3A = arith.constant 0 : i32
      %dma_wait3A_182 = tpu.memref_slice %arg16[%dma_wait3A] : memref<4096xf32, #tpu.memory_space<vmem>> -> memref<64xf32, #tpu.memory_space<vmem>>
      %dma_wait3A_183 = arith.constant 0 : i32
      %dma_wait3A_184 = tpu.memref_slice %arg5[%dma_wait3A_183] : memref<1048576xf32, #tpu.memory_space<hbm>> -> memref<64xf32, #tpu.memory_space<hbm>>
      %dma_wait3A_185 = arith.constant 0 : i32
      %dma_wait3A_186 = tpu.memref_slice %arg5[%dma_wait3A_185] : memref<1048576xf32, #tpu.memory_space<hbm>> -> memref<64xf32, #tpu.memory_space<hbm>>
      %dma_wait3A_187 = arith.constant 0 : i32
      %dma_wait3A_188 = tpu.memref_slice %arg16[%dma_wait3A_187] : memref<4096xf32, #tpu.memory_space<vmem>> -> memref<64xf32, #tpu.memory_space<vmem>>
      tpu.wait_dma2 semaphore(%arg18 : memref<!tpu.dma_semaphore, #tpu.memory_space<semaphore_mem>>) src(%dma_wait3A_188 : memref<64xf32, #tpu.memory_space<vmem>>) dst(%dma_wait3A_186 : memref<64xf32, #tpu.memory_space<hbm>>)
    }
    %while3A_180 = arith.constant 1 : i32
    scf.for %while3A_181 = %while3A_178 to %while3A_174 step %while3A_180  : i32 {
      %dma_wait3A = arith.constant 0 : i32
      %dma_wait3A_182 = tpu.memref_slice %arg16[%dma_wait3A] : memref<4096xf32, #tpu.memory_space<vmem>> -> memref<64xf32, #tpu.memory_space<vmem>>
      %dma_wait3A_183 = arith.constant 0 : i32
      %dma_wait3A_184 = tpu.memref_slice %arg5[%dma_wait3A_183] : memref<1048576xf32, #tpu.memory_space<hbm>> -> memref<64xf32, #tpu.memory_space<hbm>>
      %dma_wait3A_185 = arith.constant 0 : i32
      %dma_wait3A_186 = tpu.memref_slice %arg5[%dma_wait3A_185] : memref<1048576xf32, #tpu.memory_space<hbm>> -> memref<64xf32, #tpu.memory_space<hbm>>
      %dma_wait3A_187 = arith.constant 0 : i32
      %dma_wait3A_188 = tpu.memref_slice %arg16[%dma_wait3A_187] : memref<4096xf32, #tpu.memory_space<vmem>> -> memref<64xf32, #tpu.memory_space<vmem>>
      tpu.wait_dma2 semaphore(%arg18 : memref<!tpu.dma_semaphore, #tpu.memory_space<semaphore_mem>>) src(%dma_wait3A_188 : memref<64xf32, #tpu.memory_space<vmem>>) dst(%dma_wait3A_186 : memref<64xf32, #tpu.memory_space<hbm>>)
    }
    return
  }
}

</mosaic_0001>

<sc_bundles>
// kernel: kernel.3.cloned.1.call-start
scs
__scs_entry_jumppad:
0x0: {  	(pc) =	sbr.rel $0x88, $3  }
0x1: {  	(tag) =	ssettag $0x0;
	lr =	simm.s32 $0x1  }
0x2: {  	[smem:$0x3F9F] =	sst lr;
	_ =	strace $0xD0000000  }
0x3: {  	_ = 	snop  }
0x4: {  	_ = 	snop  }
0x5: {  	_ = 	snop  }
0x6: {  	_ = 	snop  }
0x7: {  	_ = 	snop  }
__scs_overlays_trampoline_lowered:
0x8: {  	[smem:$0x3FAE] =	sst s0  }
0x9: {  	[smem:$0x3FAF] =	sst s1  }
0xa: {  	[smem:$0x3FB0] =	sst s2  }
0xb: {  	[smem:$0x3FB1] =	sst s3  }
0xc: {  	[smem:$0x3FB2] =	sst s4  }
0xd: {  	[smem:$0x3FB3] =	sst s5  }
0xe: {  	[smem:$0x3FB4] =	sst s6  }
0xf: {  	[smem:$0x3FB5] =	sst s7  }
0x10: {  	[smem:$0x3FB6] =	sst s8  }
0x11: {  	[smem:$0x3FB7] =	sst s9;
	s0 =	simm.s32 @!p0 $0x0  }
0x12: {  	s1 =	sld [smem:$0x3F9D];
	s0 =	simm.s32 @p0 $0x1  }
0x13: {  	[smem:$0x3FB8] =	sst s0;
	s0 =	simm.s32 @!p1 $0x0  }
0x14: {  	s2 =	sld [smem:$0x3F9C];
	s0 =	simm.s32 @p1 $0x1  }
0x15: {  	[smem:$0x3FB9] =	sst s0;
	s0 =	simm.s32 @!p2 $0x0  }
0x16: {  	s3 =	sld [smem:$0x3FDB];
	s0 =	simm.s32 @p2 $0x1  }
0x17: {  	s4 =	simm.s32 $0x1BF5;
	[smem:$0x3FBB] =	sst s0  }
0x18: {  	s0 =	sld [smem:$0x3F9E];
	_ =	swait.ge [sflag:s4], $0x0  }
0x19: {  	s7 =	sld [smem:$0x3F9F]  }
0x1a: {  	s8 =	sadd.s32 $0xFFFFE003, lr  }
0x1b: {  	s9 =	sadd.s32 $0xFFFFFEF7, lr;
	s5 =	simm.s32 $0xFFFFFFFF;
	p2 =	slt.u32 s8, $0xFFFFF086  }
0x1c: {  	p1 =	slt.u32 s9, $0xF7A;
	s5 =	simm.s32 @!p2 $0x0  }
0x1d: {  	s5 =	simm.s32 @p1 $0x1;
	p0 =	seq.s32 s7, s2  }
0x1e: {  	s7 =	smul.u32 @!p0 $0xF7A, s2;
	p2 =	seq.s32 @!p0 s5, $0x0  }
0x1f: {  	s9 =	smul.u32 $0xF7A, s1;
	s8 =	simm.s32 @!p0 $0x1BF5;
	p2 =	por !p2, p0  }
0x20: {  	[sflag:s8] =	ssyncset.s32 @!p0 $0xFFFFF086;
	s6 =	sadd.s32 @!p0 s3, s7;
	s7 =	simm.s32 @!p0 $0x108  }
0x21: {  	s3 =	sadd.s32 s3, s9;
	s6 =	sadd.s32 @!p0 $0x88, s6;
	s7 =	simm.s32 @p2 $0x1082  }
0x22: {  	[simem:s7], [sflag:s8] =	dma.local @!p0 [hbm:s6], $0xF7A  }
0x23: {  	s9 =	sor.u32 $0xD0000000, s2;
	s6 =	simm.s32 $0x108;
	_ =	swait.ge @!p0 [sflag:s8], $0x0  }
0x24: {  	s3 =	sadd.s32 $0x88, s3;
	s6 =	simm.s32 @!p1 $0x1082;
	[sflag:s4] =	ssyncset.s32 $0xFFFFF086  }
0x25: {  	[simem:s6], [sflag:s4] =	dma.local [hbm:s3], $0xF7A  }
0x26: {  	[smem:$0x3F9F] =	sst s1;
	(tag) =	ssettag s2;
	_ =	strace s9  }
0x27: {  	s1 =	sld [smem:$0x3FAF]  }
0x28: {  	s2 =	sld [smem:$0x3FB0]  }
0x29: {  	s4 =	sld [smem:$0x3FB2]  }
0x2a: {  	p0 =	seq.s32 s5, $0x0;
	s5 =	sld [smem:$0x3FB3]  }
0x2b: {  	s6 =	sld [smem:$0x3FB4]  }
0x2c: {  	s7 =	sld [smem:$0x3FB5]  }
0x2d: {  	s3 =	simm.s32 $0x108;
	s8 =	sld [smem:$0x3FB6]  }
0x2e: {  	s3 =	simm.s32 @!p0 $0x1082;
	s9 =	sld [smem:$0x3FB7]  }
0x2f: {  	lr =	sadd.s32 s0, s3;
	s0 =	sld [smem:$0x3FAE]  }
0x30: {  	s3 =	sld [smem:$0x3FB1]  }
0x31: {  	[smem:$0x3FBA] =	sst s10  }
0x32: {  	s10 =	sld [smem:$0x3FB8];
	_ =	sdelay $0x3  }
0x33: {  	p0 =	seq.s32 s10, $0x1;
	s10 =	sld [smem:$0x3FBA];
	_ =	sdelay $0x3  }
0x34: {  	[smem:$0x3FBA] =	sst s10  }
0x35: {  	s10 =	sld [smem:$0x3FB9];
	_ =	sdelay $0x3  }
0x36: {  	p1 =	seq.s32 s10, $0x1;
	s10 =	sld [smem:$0x3FBA];
	_ =	sdelay $0x3  }
0x37: {  	[smem:$0x3FBA] =	sst s10  }
0x38: {  	s10 =	sld [smem:$0x3FBB]  }
0x39: {  	_ = 	snop;
	(pc) =	sbr.ind lr, $3  }
0x3a: {  	_ = 	snop  }
0x3b: {  	_ = 	snop  }
0x3c: {  	p2 =	seq.s32 s10, $0x1;
	s10 =	sld [smem:$0x3FBA]  }
0x3d: {  	_ =	shalt  }
0x3e: {  	_ =	shalt  }
0x3f: {  	_ =	shalt  }
0x40: {  	_ =	shalt  }
0x41: {  	_ =	shalt  }
0x42: {  	_ =	shalt  }
0x43: {  	_ =	shalt  }
0x44: {  	_ =	shalt  }
0x45: {  	_ =	shalt  }
0x46: {  	_ =	shalt  }
0x47: {  	_ =	shalt  }
0x48: {  	_ =	shalt  }
0x49: {  	_ =	shalt  }
0x4a: {  	_ =	shalt  }
0x4b: {  	_ =	shalt  }
0x4c: {  	_ =	shalt  }
0x4d: {  	_ =	shalt  }
0x4e: {  	_ =	shalt  }
0x4f: {  	_ =	shalt  }
0x50: {  	_ =	shalt  }
0x51: {  	_ =	shalt  }
0x52: {  	_ =	shalt  }
0x53: {  	_ =	shalt  }
0x54: {  	_ =	shalt  }
0x55: {  	_ =	shalt  }
0x56: {  	_ =	shalt  }
0x57: {  	_ =	shalt  }
0x58: {  	_ =	shalt  }
0x59: {  	_ =	shalt  }
0x5a: {  	_ =	shalt  }
0x5b: {  	_ =	shalt  }
0x5c: {  	_ =	shalt  }
0x5d: {  	_ =	shalt  }
0x5e: {  	_ =	shalt  }
0x5f: {  	_ =	shalt  }
0x60: {  	_ =	shalt  }
0x61: {  	_ =	shalt  }
0x62: {  	_ =	shalt  }
0x63: {  	_ =	shalt  }
0x64: {  	_ =	shalt  }
0x65: {  	_ =	shalt  }
0x66: {  	_ =	shalt  }
0x67: {  	_ =	shalt  }
0x68: {  	_ =	shalt  }
0x69: {  	_ =	shalt  }
0x6a: {  	_ =	shalt  }
0x6b: {  	_ =	shalt  }
0x6c: {  	_ =	shalt  }
0x6d: {  	_ =	shalt  }
0x6e: {  	_ =	shalt  }
0x6f: {  	_ =	shalt  }
0x70: {  	_ =	shalt  }
0x71: {  	_ =	shalt  }
0x72: {  	_ =	shalt  }
0x73: {  	_ =	shalt  }
0x74: {  	_ =	shalt  }
0x75: {  	_ =	shalt  }
0x76: {  	_ =	shalt  }
0x77: {  	_ =	shalt  }
0x78: {  	_ =	shalt  }
0x79: {  	_ =	shalt  }
0x7a: {  	_ =	shalt  }
0x7b: {  	_ =	shalt  }
0x7c: {  	_ =	shalt  }
0x7d: {  	_ =	shalt  }
0x7e: {  	_ =	shalt  }
0x7f: {  	_ =	shalt  }
0x80: {  	_ =	shalt  }
0x81: {  	_ =	shalt  }
0x82: {  	_ =	shalt  }
0x83: {  	_ =	shalt  }
0x84: {  	_ =	shalt  }
0x85: {  	_ =	shalt  }
0x86: {  	_ =	shalt  }
0x87: {  	_ =	shalt  }
.Lfunc_end0:
.L_simem_size_0:
called_computation_lowered:
.L_overlay_start_0:
0x88: {  	s2 =	sld [smem:$0x3FD9]  }
0x89: {  	s3 =	sld [smem:$0x3FFE];
	_ =	sdelay $0x1  }
0x8a: {  	s1 =	srdreg.scid  }
0x8b: {  	s0 =	sand.u32 $0x1, s1  }
0x8c: {  	s17 =	sshll.u32 s0, $0xA;
	s2 =	sadd.s32 s3, s2  }
0x8d: {  	s2 =	sadd.s32 s2, s17  }
0x8e: {  	[smem:$0x3FC6] =	sst s2  }
0x8f: {  	_ = 	snop  }
0x90: {  	s2 =	sld [smem:$0x3FC9]  }
0x91: {  	s18 =	sld [smem:$0x3FC8]  }
0x92: {  	s4 =	sld [smem:$0x3FD0];
	(tm) =	ssettm $0x1  }
0x93: {  	s5 =	sld [smem:$0x3FFB];
	_ =	sdelay $0x3  }
0x94: {  	_ =	strace s5  }
0x95: {  	s5 =	sld [smem:$0x3FFC];
	_ =	sdelay $0x3  }
0x96: {  	_ =	strace s5  }
0x97: {  	s5 =	sld [smem:$0x3FFD];
	_ =	sdelay $0x3  }
0x98: {  	_ =	strace s5  }
0x99: {  	_ =	strace $0x8FFFFFFF  }
0x9a: {  	s19 =	sld [smem:$0x3FDB];
	_ =	sdelay $0x1  }
0x9b: {  	s6 =	simm.s32 $_scs_section_size  }
0x9c: {  	s7 =	simm.s32 $_size__tile_overlayer_lowered;
	s8 =	simm.s32 $_tile_overlayer_lowered  }
0x9d: {  	s22 =	simm.s32 $0x1BFF;
	s21 =	sshll.u32 s8, $0x1;
	s5 =	sadd.s32 s6, s19  }
0x9e: {  	s9 =	simm.s32 $0x0;
	s20 =	sshll.u32 s7, $0x1;
	s7 =	sadd.s32 s21, s5  }
0x9f: {  	[timem:s9], [sflag:s22] =	dma.local [hbm:s7], s20  }
0xa0: {  	_ =	swait.ge [sflag:s22], s20  }
0xa1: {  	s6 =	ssub.s32 $0x0, s20;
	[sflag:s22] =	ssyncset.done $0x0  }
0xa2: {  	[sflag:s22] =	ssyncadd.s32 s6;
	_ =	sdelay $0x1  }
0xa3: {  	s23 =	simm.s32 $0x1B8B  }
0xa4: {  	_ =	swait.ge [sflag:s23], $0x1  }
0xa5: {  	[sflag:s23] =	ssyncset.done $0x0  }
0xa6: {  	s25 =	simm.s32 $0x1B8E;
	s24 =	sld [smem:$0x3FFE];
	[sflag:s23] =	ssyncadd.s32 $0xFFFFFFFF  }
0xa7: {  	s26 =	simm.s32 $execute0_lowered;
	[smem:$0x3FD2] =	sst s25  }
0xa8: {  	s7 =	sshll.u32 s26, $0x1;
	_ =	strace $0x80000046;
	[dreg:$0x1] =	wrdreg $0xFFFFFFFF  }
0xa9: {  	s28 =	simm.s32 $_size_execute0_lowered;
	s5 =	sadd.s32 s5, s7;
	[dreg:$0x0] =	wrdreg $0x0  }
0xaa: {  	s7 =	sshll.u32 s28, $0x1;
	[dreg:$0x2] =	wrdreg s5  }
0xab: {  	[dreg:$0x3] =	wrdreg s7  }
0xac: {  	[dreg:$0x4] =	wrdreg $0xC0  }
0xad: {  	_ =	task [dreg:s9], $0x5FFFF  }
0xae: {  	[dreg:$0x1] =	wrdreg $0xFFFFFFFF  }
0xaf: {  	[dreg:$0x0] =	wrdreg $0x60  }
0xb0: {  	[dreg:$0x2] =	wrdreg s2  }
0xb1: {  	[dreg:$0x3] =	wrdreg s18  }
0xb2: {  	[dreg:$0x4] =	wrdreg s24  }
0xb3: {  	[dreg:$0x5] =	wrdreg s4  }
0xb4: {  	[dreg:$0x6] =	wrdreg $0x9  }
0xb5: {  	_ =	task.clear_ibuf [dreg:s9], $0x7FFFF;
	_ =	strace $0x90000046  }
0xb6: {  	s29 =	simm.s32 $0x9;
	_ =	strace $0x80000048  }
0xb7: {  	_ =	swait.ge [sflag:s29], $0x1  }
0xb8: {  	[sflag:s29] =	ssyncadd.s32 $0xFFFFFFFF  }
0xb9: {  	_ =	strace $0x90000048  }
0xba: {  	_ =	sfence  }
0xbb: {  	s30 =	sld [smem:$0x0];
	_ =	sdelay $0x2  }
0xbc: {  	s31 =	sshll.u32 s1, $0xD;
	s1 =	sshrl.u32 s1, $0x2  }
0xbd: {  	s3 =	sand.u32 $0x4000, s31;
	s1 =	sadd.s32 s1, s30  }
0xbe: {  	s0 =	sor.u32 s3, s0;
	s1 =	sshll.u32 s1, $0x11  }
0xbf: {  	s0 =	sor.u32 s1, s0  }
0xc0: {  	s0 =	sadd.s32 $0x8F2B, s0  }
0xc1: {  	[sflag:s0] =	ssyncadd.remote.s32 $0x1  }
0xc2: {  	_ =	sfence.sel $0xFFFF  }
0xc3: {  	[dreg:$0x0] =	wrdreg $0xFFFFFFFF;
	(pc) =	sbr.abs _section_cstart, $3  }
0xc4: {  	[dreg:$0x1] =	wrdreg $0xFFFFFFFF  }
0xc5: {  	_ =	task.clear_ibuf [dreg:s9], $0x2FFFF;
	_ =	strace $0x9FFFFFFF  }
0xc6: {  	(tm) =	ssettm $0x7FFFFFFF  }
0xc7: {  	_ =	shalt  }
tec
execute0_lowered:
.L_overlay_start_1:
0x0: {  	(tag) =	ssettag $0x1  }
0x1: {  	s1 =	rddreg [dreg:$0x0]  }
0x2: {  	s3 =	rddreg [dreg:$0x1]  }
0x3: {  	s7 =	rddreg [dreg:$0x2]  }
0x4: {  	s4 =	rddreg [dreg:$0x3]  }
0x5: {  	s5 =	srdreg.scid;
	s2 =	stileid.u32  }
0x6: {  	s0 =	rddreg [dreg:$0x4];
	s10 =	simm.s32 $0xC000;
	s11 =	simm.s32 $0xC200  }
0x7: {  	s12 =	simm.s32 $0x4000;
	s13 =	simm.s32 $0x8000;
	s14 =	simm.s32 $0x1  }
0x8: {  	s15 =	simm.s32 $0xC780;
	s6 =	sand.u32 $0x1, s5;
	s8 =	sshll.u32 s2, $0x1  }
.Ltmp0:
0x9: {  	v0 =	vlaneseq.u32;
	s9 =	ssub.s32 $0x2, s6;
	s6 =	sor.u32 s6, s8;
	(pc) =	sbr.rel .LBB2_1-.Ltmp0, $4  }
0xa: {  	s16 =	simm.s32 $0x2;
	s17 =	simm.s32 $0x0;
	v1 =	vmul.u32 $0x80, v0;
	s6 =	smul.u32 $0xF5, s6  }
0xb: {  	v4 =	vimm.s32 $0x0;
	vm0 =	vmmov $0x1;
	s5 =	simm.s32 $0x0;
	s7 =	sadd.s32 $0x400, s7;
	s30 =	sshrl.u32 s9, $0x1  }
0xc: {  	vm1 =	vcmask $0x1318;
	[smem:$0x7FF] =	sst s5;
	v5 =	vor.u32 $0x800, v1;
	v6 =	vor.u32 $0x1000, v1;
	s8 =	ssub.s32 s9, s30;
	s31 =	sadd.s32 $0xF5, s6  }
0xd: {  	_ =	strace $0x80000047;
	v7 =	vor.u32 $0x1800, v1;
	s9 =	simm.s32 $0x3;
	s8 =	smax.u32 s8, $0x1;
	v2 =	vmov s6;
	v3 =	vmov s31  }
.LBB2_26:
0xe: {  	[sflag:s16] =	ssyncadd.s32 $0xFFFFFFC0  }
.LBB2_27:
0xf: {  	s17 =	sadd.s32 $0x1, s17  }
0x10: {  	p0 =	sne.s32 s17, s8  }
.Ltmp1:
0x11: {  	_ = 	snop;
	(pc) =	sbr.rel @!p0 .LBB2_28-.Ltmp1, $1  }
0x12: {  	_ =	sdelay $0x3  }
.LBB2_1:
0x13: {  	[tilespmem:s5], [sflag:$0x3] =	stream.linear.gather [hbm4b:s1+s5], $0x4000, $0x38;
	[tilespmem:$0x1D780] =	vst v63  }
0x14: {  	_ =	swait.ge [sflag:s9], $0x4000  }
0x15: {  	[sflag:s9] =	ssyncset.done $0x0  }
0x16: {  	[sflag:s9] =	ssyncadd.s32 $0xFFFFC000  }
0x17: {  	[tilespmem:$0xC000] =	vst v4  }
0x18: {  	[tilespmem:$0xC010] =	vst v4  }
0x19: {  	[tilespmem:$0xC020] =	vst v4  }
0x1a: {  	[tilespmem:$0xC030] =	vst v4  }
0x1b: {  	[tilespmem:$0xC040] =	vst v4  }
0x1c: {  	[tilespmem:$0xC050] =	vst v4  }
0x1d: {  	[tilespmem:$0xC060] =	vst v4  }
0x1e: {  	[tilespmem:$0xC070] =	vst v4  }
0x1f: {  	[tilespmem:$0xC080] =	vst v4  }
0x20: {  	[tilespmem:$0xC090] =	vst v4  }
0x21: {  	[tilespmem:$0xC0A0] =	vst v4  }
0x22: {  	[tilespmem:$0xC0B0] =	vst v4  }
0x23: {  	[tilespmem:$0xC0C0] =	vst v4  }
0x24: {  	[tilespmem:$0xC0D0] =	vst v4  }
0x25: {  	[tilespmem:$0xC0E0] =	vst v4  }
0x26: {  	s20 =	simm.s32 $0xFFFFFFFE;
	s19 =	simm.s32 $0x10;
	s21 =	simm.s32 $0xFFFFFFFE;
	[tilespmem:$0xC0F0] =	vst v4  }
.LBB2_2:
0x27: {  	v8 =	vld [tilespmem:s19+$0xFFFFFFF0];
	_ =	sdelay $0x4  }
0x28: {  	v8 =	vshrl.u32 v8, $0x7  }
0x29: {  	vm2 =	vge.u32 v8, v2;
	vm3 =	vlt.u32 v8, v3  }
0x2a: {  	v8 =	vsub.s32 v8, v2;
	vm2 =	vmand vm2, vm3  }
0x2b: {  	(xrf1) =	vunique.msk.u32 vm2, v8;
	_ =	sdelay $0xd  }
0x2c: {  	_, v9, vm3 =	vpop (xrf1)  }
0x2d: {  	vm2 =	vmand vm2, vm3;
	_ =	sdelay $0x5  }
0x2e: {  	[tilespmem:v8+s10+$0x0] =	vst.idx.add.s32.msk vm2, v9  }
0x2f: {  	v8 =	vld [tilespmem:s19+$0x0];
	_ =	sdelay $0x4  }
0x30: {  	v8 =	vshrl.u32 v8, $0x7  }
0x31: {  	vm2 =	vge.u32 v8, v2;
	vm3 =	vlt.u32 v8, v3  }
0x32: {  	v8 =	vsub.s32 v8, v2;
	vm2 =	vmand vm2, vm3  }
0x33: {  	(xrf1) =	vunique.msk.u32 vm2, v8;
	_ =	sdelay $0xd  }
0x34: {  	_, v63, vm3 =	vpop (xrf1)  }
0x35: {  	s21 =	sadd.s32 $0x2, s21;
	vm2 =	vmand vm2, vm3  }
0x36: {  	p0 =	slt.u32 s21, $0x3FE  }
.Ltmp2:
0x37: {  	_ = 	snop;
	(pc) =	sbr.rel @p0 .LBB2_2-.Ltmp2, $3  }
0x38: {  	_ =	sdelay $0x1  }
0x39: {  	s23 =	simm.s32 $0x0  }
0x3a: {  	s18 =	simm.s32 $0xC110;
	s22 =	simm.s32 $0xC010;
	s19 =	sadd.s32 $0x20, s19;
	[tilespmem:v8+s10+$0x0] =	vst.idx.add.s32.msk vm2, v63  }
0x3b: {  	v8 =	vld [tilespmem:s22+$0xFFFFFFF0];
	_ =	sdelay $0x4  }
0x3c: {  	(xrf0) =	vadd.scan.msk.s32 $0xffff, v8;
	_ =	sdelay $0x5  }
0x3d: {  	v8 =	vsub.s32 s23, v8;
	v9, _, _ =	vpop (xrf0)  }
0x3e: {  	v8 =	vadd.s32 v9, v8  }
0x3f: {  	(v2sf) =	vpush v9, $0xF;
	[tilespmem:s18+$0xFFFFFFF0] =	vst v8  }
0x40: {  	v8 =	vld [tilespmem:s22+$0x0];
	_ =	sdelay $0x4  }
0x41: {  	(xrf0) =	vadd.scan.msk.s32 $0xffff, v8;
	_ =	sdelay $0x5  }
0x42: {  	v9, _, _ =	vpop (xrf0)  }
0x43: {  	(v2sf) =	vpush v9, $0xF;
	_ =	sdelay $0x1  }
0x44: {  	s19 =	spop (v2sf)  }
0x45: {  	v8 =	vsub.s32 v9, v8;
	s21 =	sadd.s32 s23, s19  }
0x46: {  	v8 =	vadd.s32 s21, v8  }
0x47: {  	s19 =	sadd.s32 $0x20, s22;
	[tilespmem:s18+$0x0] =	vst v8  }
0x48: {  	v8 =	vld [tilespmem:s19+$0xFFFFFFF0];
	_ =	sdelay $0x4  }
0x49: {  	(xrf0) =	vadd.scan.msk.s32 $0xffff, v8;
	_ =	sdelay $0x2  }
0x4a: {  	s20 =	sadd.s32 $0x2, s20  }
0x4b: {  	s20 =	sadd.s32 $0x2, s20;
	s22 =	spop (v2sf)  }
.LBB2_4:
0x4c: {  	s20 =	sadd.s32 $0x2, s20;
	s21 =	sadd.s32 s21, s22;
	s18 =	sadd.s32 $0x20, s18  }
0x4d: {  	p0 =	slt.u32 s20, $0xE;
	v8 =	vsub.s32 s21, v8;
	v9, _, _ =	vpop (xrf0)  }
0x4e: {  	v8 =	vadd.s32 v9, v8;
	(v2sf) =	vpush v9, $0xF  }
0x4f: {  	[tilespmem:s18+$0xFFFFFFF0] =	vst v8  }
0x50: {  	v8 =	vld [tilespmem:s19+$0x0];
	_ =	sdelay $0x4  }
0x51: {  	(xrf0) =	vadd.scan.msk.s32 $0xffff, v8;
	_ =	sdelay $0x5  }
0x52: {  	v9, _, _ =	vpop (xrf0)  }
0x53: {  	v8 =	vsub.s32 v9, v8;
	(v2sf) =	vpush v9, $0xF  }
0x54: {  	s22 =	spop (v2sf);
	_ =	sdelay $0x1  }
0x55: {  	s21 =	sadd.s32 s21, s22  }
0x56: {  	v8 =	vadd.s32 s21, v8  }
0x57: {  	s19 =	sadd.s32 $0x20, s19;
	[tilespmem:s18+$0x0] =	vst v8  }
0x58: {  	v8 =	vld [tilespmem:s19+$0xFFFFFFF0];
	_ =	sdelay $0x4  }
.Ltmp3:
0x59: {  	(xrf0) =	vadd.scan.msk.s32 $0xffff, v8;
	(pc) =	sbr.rel @p0 .LBB2_4-.Ltmp3, $2  }
0x5a: {  	_ =	sdelay $0x2  }
0x5b: {  	s22 =	spop (v2sf)  }
0x5c: {  	_ = 	snop  }
0x5d: {  	v9, _, _ =	vpop (xrf0)  }
0x5e: {  	s20 =	sadd.s32 s21, s22;
	(v2sf) =	vpush v9, $0xF  }
0x5f: {  	v8 =	vsub.s32 s20, v8  }
0x60: {  	s18 =	sadd.s32 $0x20, s18;
	v8 =	vadd.s32 v9, v8  }
0x61: {  	[tilespmem:s18+$0xFFFFFFF0] =	vst v8  }
0x62: {  	v8 =	vld [tilespmem:s19+$0x0];
	_ =	sdelay $0x4  }
0x63: {  	(xrf0) =	vadd.scan.msk.s32 $0xffff, v8;
	_ =	sdelay $0x5  }
0x64: {  	v54, _, _ =	vpop (xrf0);
	s30 =	spop (v2sf)  }
0x65: {  	v8 =	vsub.s32 v54, v8;
	s19 =	sadd.s32 s20, s30  }
0x66: {  	v8 =	vadd.s32 s19, v8  }
0x67: {  	[tilespmem:s18+$0x0] =	vst v8  }
0x68: {  	v8 =	vld [tilespmem:$0xC100]  }
0x69: {  	v10 =	vld [tilespmem:$0xC110]  }
0x6a: {  	v11 =	vld [tilespmem:$0xC120]  }
0x6b: {  	v12 =	vld [tilespmem:$0xC130]  }
0x6c: {  	v55 =	vld [tilespmem:$0xC140]  }
0x6d: {  	(v2sf) =	vpush v54, $0xF;
	[tilespmem:$0xC200] =	vst v8;
	v8 =	vld [tilespmem:$0xC150]  }
0x6e: {  	v56 =	vld [tilespmem:$0xC160];
	[tilespmem:$0xC210] =	vst v10  }
0x6f: {  	v57 =	vld [tilespmem:$0xC170];
	[tilespmem:$0xC220] =	vst v11  }
0x70: {  	v58 =	vld [tilespmem:$0xC180];
	[tilespmem:$0xC230] =	vst v12  }
0x71: {  	v59 =	vld [tilespmem:$0xC190];
	[tilespmem:$0xC240] =	vst v55  }
0x72: {  	[tilespmem:$0xC250] =	vst v8;
	v8 =	vld [tilespmem:$0xC1A0]  }
0x73: {  	v60 =	vld [tilespmem:$0xC1B0];
	[tilespmem:$0xC260] =	vst v56  }
0x74: {  	v61 =	vld [tilespmem:$0xC1C0];
	[tilespmem:$0xC270] =	vst v57  }
0x75: {  	v62 =	vld [tilespmem:$0xC1D0];
	[tilespmem:$0xC280] =	vst v58  }
0x76: {  	v63 =	vld [tilespmem:$0xC1E0];
	[tilespmem:$0xC290] =	vst v59  }
0x77: {  	[tilespmem:$0xC2A0] =	vst v8;
	v8 =	vld [tilespmem:$0xC1F0]  }
0x78: {  	[tilespmem:$0xC2B0] =	vst v60  }
0x79: {  	[tilespmem:$0xC2C0] =	vst v61  }
0x7a: {  	[tilespmem:$0xC2D0] =	vst v62  }
0x7b: {  	s21 =	simm.s32 $0x10;
	s22 =	simm.s32 $0xFFFFFFFE;
	s20 =	simm.s32 $0x10;
	[tilespmem:$0xC2E0] =	vst v63  }
0x7c: {  	s19 =	simm.s32 $0x10;
	s18 =	simm.s32 $0xFFFFFFFE;
	s31 =	spop (v2sf);
	[tilespmem:$0xC2F0] =	vst v8  }
.LBB2_6:
0x7d: {  	v8 =	vld [tilespmem:s21+$0xFFFFFFF0];
	_ =	sdelay $0x4  }
0x7e: {  	v9 =	vshrl.u32 v8, $0x7  }
0x7f: {  	vm2 =	vge.u32 v9, v2;
	vm3 =	vlt.u32 v9, v3  }
0x80: {  	v9 =	vsub.s32 v9, v2;
	vm2 =	vmand vm2, vm3  }
0x81: {  	(xrf1) =	vunique.msk.u32 vm2, v9;
	_ =	sdelay $0x9  }
0x82: {  	v10 =	vld.idx.msk [tilespmem:v9+s11+$0x0], vm2;
	_ =	sdelay $0x3  }
0x83: {  	_, v11, vm3 =	vpop (xrf1)  }
0x84: {  	v10 =	vadd.s32 v11, v10  }
0x85: {  	v10 =	vadd.s32 $0xFFFFFFFF, v10  }
0x86: {  	vm3 =	vmand vm2, vm3;
	_ =	sdelay $0x2  }
0x87: {  	s23 =	sadd.s32 $0xFFFFFFF0, s19  }
0x88: {  	v12 =	vor.u32 s23, v0;
	[tilespmem:v10+s12+$0x0] =	vst.idx.msk vm2, v8  }
0x89: {  	[tilespmem:v10+s13+$0x0] =	vst.idx.msk vm2, v12  }
0x8a: {  	[tilespmem:v9+s11+$0x0] =	vst.idx.add.s32.msk vm3, v11  }
0x8b: {  	v8 =	vld [tilespmem:s21+$0x0];
	_ =	sdelay $0x4  }
0x8c: {  	v61 =	vshrl.u32 v8, $0x7  }
0x8d: {  	vm2 =	vge.u32 v61, v2;
	vm3 =	vlt.u32 v61, v3  }
0x8e: {  	v9 =	vsub.s32 v61, v2;
	vm2 =	vmand vm2, vm3  }
0x8f: {  	(xrf1) =	vunique.msk.u32 vm2, v9;
	_ =	sdelay $0x9  }
0x90: {  	v10 =	vld.idx.msk [tilespmem:v9+s11+$0x0], vm2;
	_ =	sdelay $0x3  }
0x91: {  	_, v62, vm3 =	vpop (xrf1)  }
0x92: {  	v10 =	vadd.s32 v62, v10  }
0x93: {  	v10 =	vadd.s32 $0xFFFFFFFF, v10  }
0x94: {  	s22 =	sadd.s32 $0x2, s22;
	vm3 =	vmand vm2, vm3  }
0x95: {  	p0 =	slt.u32 s22, $0x3FE  }
.Ltmp4:
0x96: {  	_ = 	snop;
	(pc) =	sbr.rel @p0 .LBB2_6-.Ltmp4, $4  }
0x97: {  	_ = 	snop  }
0x98: {  	v63 =	vor.u32 s19, v0;
	[tilespmem:v10+s12+$0x0] =	vst.idx.msk vm2, v8  }
0x99: {  	s19 =	sadd.s32 $0x20, s19;
	s25 =	simm.s32 $0xC010;
	[tilespmem:v10+s13+$0x0] =	vst.idx.msk vm2, v63  }
0x9a: {  	s24 =	simm.s32 $0xC110;
	s23 =	simm.s32 $0x0;
	s21 =	sadd.s32 $0x20, s21;
	[tilespmem:v9+s11+$0x0] =	vst.idx.add.s32.msk vm3, v62  }
0x9b: {  	v8 =	vld [tilespmem:s25+$0xFFFFFFF0];
	_ =	sdelay $0x1  }
0x9c: {  	v9 =	vld [tilespmem:s24+$0xFFFFFFF0]  }
0x9d: {  	s19 =	sadd.s32 s6, s20  }
0x9e: {  	s21 =	sadd.s32 $0xFFFFFFF0, s19  }
0x9f: {  	v10 =	vadd.s32 s21, v0;
	vm2 =	vgt.s32 v8, $0x0  }
0xa0: {  	[tilespmem:s23+$0xC300] =	vst.msk vm2, v10  }
0xa1: {  	v8 =	vadd.s32 v8, v9;
	[tilespmem:s23+$0xC480] =	vst.msk vm2, v9  }
0xa2: {  	[tilespmem:s23+$0xC600] =	vst.msk vm2, v8;
	v8 =	vsel vm2, $0x1, v4  }
0xa3: {  	(xrf0) =	vadd.scan.msk.s32 $0xffff, v8;
	_ =	sdelay $0x1  }
0xa4: {  	v9 =	vld [tilespmem:s25+$0x0];
	_ =	sdelay $0x3  }
0xa5: {  	v10, _, _ =	vpop (xrf0)  }
0xa6: {  	vm2 =	vgt.s32 v9, $0x0;
	(v2sf) =	vpush v10, $0xF  }
0xa7: {  	v8 =	vsel vm2, $0x1, v4  }
0xa8: {  	(xrf0) =	vadd.scan.msk.s32 $0xffff, v8;
	_ =	sdelay $0x5  }
0xa9: {  	v8, _, _ =	vpop (xrf0)  }
0xaa: {  	(v2sf) =	vpush v8, $0xF;
	_ =	sdelay $0x3  }
0xab: {  	v8 =	vld [tilespmem:s24+$0x0];
	_ =	sdelay $0x1  }
0xac: {  	s31 =	spop (v2sf)  }
0xad: {  	v10 =	vadd.s32 s19, v0;
	s23 =	sadd.s32 s23, s31  }
0xae: {  	[tilespmem:s23+$0xC300] =	vst.msk vm2, v10  }
0xaf: {  	[tilespmem:s23+$0xC480] =	vst.msk vm2, v8;
	v8 =	vadd.s32 v9, v8  }
0xb0: {  	s19 =	sadd.s32 $0x20, s25;
	[tilespmem:s23+$0xC600] =	vst.msk vm2, v8  }
0xb1: {  	v8 =	vld [tilespmem:s19+$0xFFFFFFF0]  }
0xb2: {  	s22 =	sadd.s32 $0x2, s18;
	s18 =	sadd.s32 $0x20, s24  }
0xb3: {  	s21 =	sadd.s32 $0x20, s20;
	v9 =	vld [tilespmem:s18+$0xFFFFFFF0]  }
0xb4: {  	s20 =	sadd.s32 s6, s21  }
0xb5: {  	s22 =	sadd.s32 $0x2, s22;
	s24 =	sadd.s32 $0xFFFFFFF0, s20;
	s25 =	spop (v2sf)  }
.LBB2_8:
0xb6: {  	s22 =	sadd.s32 $0x2, s22;
	vm2 =	vgt.s32 v8, $0x0;
	v10 =	vadd.s32 s24, v0;
	s23 =	sadd.s32 s23, s25  }
0xb7: {  	p0 =	slt.u32 s22, $0xE;
	[tilespmem:s23+$0xC300] =	vst.msk vm2, v10;
	v10 =	vsel vm2, $0x1, v4  }
0xb8: {  	[tilespmem:s23+$0xC480] =	vst.msk vm2, v9;
	v8 =	vadd.s32 v8, v9;
	(xrf0) =	vadd.scan.msk.s32 $0xffff, v10  }
0xb9: {  	[tilespmem:s23+$0xC600] =	vst.msk vm2, v8  }
0xba: {  	v8 =	vld [tilespmem:s19+$0x0];
	_ =	sdelay $0x3  }
0xbb: {  	v9, _, _ =	vpop (xrf0)  }
0xbc: {  	vm2 =	vgt.s32 v8, $0x0;
	(v2sf) =	vpush v9, $0xF  }
0xbd: {  	v9 =	vsel vm2, $0x1, v4  }
0xbe: {  	(xrf0) =	vadd.scan.msk.s32 $0xffff, v9;
	_ =	sdelay $0x5  }
0xbf: {  	v9, _, _ =	vpop (xrf0)  }
0xc0: {  	(v2sf) =	vpush v9, $0xF;
	_ =	sdelay $0x3  }
0xc1: {  	v9 =	vld [tilespmem:s18+$0x0];
	_ =	sdelay $0x1  }
0xc2: {  	s24 =	spop (v2sf)  }
0xc3: {  	v10 =	vadd.s32 s20, v0;
	s23 =	sadd.s32 s23, s24  }
0xc4: {  	[tilespmem:s23+$0xC300] =	vst.msk vm2, v10  }
0xc5: {  	[tilespmem:s23+$0xC480] =	vst.msk vm2, v9;
	v8 =	vadd.s32 v8, v9  }
0xc6: {  	s19 =	sadd.s32 $0x20, s19;
	[tilespmem:s23+$0xC600] =	vst.msk vm2, v8  }
.Ltmp5:
0xc7: {  	v8 =	vld [tilespmem:s19+$0xFFFFFFF0];
	(pc) =	sbr.rel @p0 .LBB2_8-.Ltmp5, $4  }
0xc8: {  	s18 =	sadd.s32 $0x20, s18  }
0xc9: {  	s21 =	sadd.s32 $0x20, s21;
	v9 =	vld [tilespmem:s18+$0xFFFFFFF0]  }
0xca: {  	s20 =	sadd.s32 s6, s21  }
0xcb: {  	s24 =	sadd.s32 $0xFFFFFFF0, s20;
	s25 =	spop (v2sf)  }
0xcc: {  	vm2 =	vgt.s32 v8, $0x0;
	v10 =	vadd.s32 s24, v0;
	s21 =	sadd.s32 s23, s25  }
0xcd: {  	[tilespmem:s21+$0xC300] =	vst.msk vm2, v10  }
0xce: {  	[tilespmem:s21+$0xC480] =	vst.msk vm2, v9;
	v8 =	vadd.s32 v8, v9  }
0xcf: {  	[tilespmem:s21+$0xC600] =	vst.msk vm2, v8  }
0xd0: {  	v8 =	vld [tilespmem:s19+$0x0];
	_ =	sdelay $0x4  }
0xd1: {  	v58 =	vsel vm2, $0x1, v4;
	vm2 =	vgt.s32 v8, $0x0  }
0xd2: {  	(xrf0) =	vadd.scan.msk.s32 $0xffff, v58;
	v59 =	vsel vm2, $0x1, v4  }
0xd3: {  	(xrf0) =	vadd.scan.msk.s32 $0xffff, v59;
	_ =	sdelay $0x4  }
0xd4: {  	v60, _, _ =	vpop (xrf0)  }
0xd5: {  	(v2sf) =	vpush v60, $0xF;
	v61, _, _ =	vpop (xrf0)  }
0xd6: {  	(v2sf) =	vpush v61, $0xF;
	_ =	sdelay $0xd  }
0xd7: {  	s29 =	spop (v2sf)  }
0xd8: {  	s30 =	sadd.s32 s21, s29;
	s31 =	spop (v2sf)  }
0xd9: {  	v62 =	vld [tilespmem:s18+$0x0];
	s18 =	sadd.s32 s30, s31  }
0xda: {  	p0 =	slt.s32 s18, $0x1  }
.Ltmp6:
0xdb: {  	_ = 	snop;
	(pc) =	sbr.rel @p0 .LBB2_27-.Ltmp6, $4  }
0xdc: {  	v63 =	vadd.s32 s20, v0  }
0xdd: {  	[tilespmem:s30+$0xC300] =	vst.msk vm2, v63  }
0xde: {  	v8 =	vadd.s32 v8, v62;
	[tilespmem:s30+$0xC480] =	vst.msk vm2, v62  }
0xdf: {  	[tilespmem:s30+$0xC600] =	vst.msk vm2, v8  }
0xe0: {  	v8 =	vld [tilespmem:$0xC300];
	_ =	sdelay $0x4  }
0xe1: {  	v8 =	vnsel vm0, $0x0, v8  }
0xe2: {  	(xrf0) =	vadd.scan.msk.s32 $0xffff, v8;
	_ =	sdelay $0x5  }
0xe3: {  	v8, _, _ =	vpop (xrf0)  }
0xe4: {  	(v2sf) =	vpush v8, $0xF;
	_ =	sdelay $0xe  }
0xe5: {  	s19 =	spop (v2sf)  }
0xe6: {  	s19 =	sshll.u32 s19, $0x7  }
0xe7: {  	p0 =	sgt.s32 s19, $0xF41FF  }
0xe8: {  	s20 =	simm.s32 @p0 $0x0  }
0xe9: {  	s21 =	simm.s32 @p0 $0xC780;
	s19 =	sand.u32 @!p0 $0x1FFFFF80, s19;
	s22 =	simm.s32 @!p0 $0xC780  }
0xea: {  	[tilespmem:s21], [sflag:$0x1] =	stream.linear.gather @p0 [hbm4b:s7+s20], $0x2000, $0x38;
	[tilespmem:$0x1D780] =	vst v63  }
0xeb: {  	s19 =	sadd.s32 @!p0 s3, s19;
	s20 =	simm.s32 @!p0 $0x400;
	s21 =	simm.s32 @!p0 $0x7A1400  }
0xec: {  	[tilespmem:s22], [sflag:$0x1] =	stream.strided.gather @!p0 [hbm4b:s19+s20], $0x2000, s21, s20, $0x38;
	[tilespmem:$0x1D780] =	vst v63  }
0xed: {  	p0 =	seq.s32 s18, $0x1  }
0xee: {  	v8 =	vld @!p0 [tilespmem:$0xC300];
	_ =	sdelay $0x3  }
0xef: {  	vm2 =	vcmask @!p0 $0x308  }
0xf0: {  	v8 =	vsel @!p0 vm2, $0x0, v8  }
0xf1: {  	(xrf0) =	vadd.scan.msk.s32 @!p0 $0xffff, v8;
	_ =	sdelay $0x5  }
0xf2: {  	v8, _, _ =	vpop @!p0 (xrf0)  }
0xf3: {  	(v2sf) =	vpush @!p0 v8, $0xF;
	_ =	sdelay $0xe  }
0xf4: {  	s19 =	spop @!p0 (v2sf)  }
0xf5: {  	s19 =	sshll.u32 @!p0 s19, $0x7  }
0xf6: {  	p1 =	sgt.s32 @!p0 s19, $0xF41FF  }
0xf7: {  	p2 =	por !p1, p0  }
0xf8: {  	p1 =	por p1, p0;
	s20 =	simm.s32 @!p2 $0x0  }
0xf9: {  	s21 =	simm.s32 @!p2 $0xE780;
	s19 =	sand.u32 @!p1 $0x1FFFFF80, s19;
	s22 =	simm.s32 @!p1 $0xE780  }
0xfa: {  	[tilespmem:s21], [sflag:$0x1] =	stream.linear.gather @!p2 [hbm4b:s7+s20], $0x2000, $0x38;
	[tilespmem:$0x1D780] =	vst v63  }
0xfb: {  	s19 =	sadd.s32 @!p1 s3, s19;
	s20 =	simm.s32 @!p1 $0x400;
	s21 =	simm.s32 @!p1 $0x7A1400  }
0xfc: {  	[tilespmem:s22], [sflag:$0x1] =	stream.strided.gather @!p1 [hbm4b:s19+s20], $0x2000, s21, s20, $0x38;
	[tilespmem:$0x1D780] =	vst v63  }
0xfd: {  	p1 =	slt.u32 @!p0 s18, $0x3  }
0xfe: {  	p0 =	por p0, p1  }
0xff: {  	v8 =	vld @!p0 [tilespmem:$0xC300];
	_ =	sdelay $0x3  }
0x100: {  	vm2 =	vcmask @!p0 $0x70C  }
0x101: {  	v8 =	vsel @!p0 vm2, $0x0, v8  }
0x102: {  	(xrf0) =	vadd.scan.msk.s32 @!p0 $0xffff, v8;
	_ =	sdelay $0x5  }
0x103: {  	v8, _, _ =	vpop @!p0 (xrf0)  }
0x104: {  	(v2sf) =	vpush @!p0 v8, $0xF;
	_ =	sdelay $0xe  }
0x105: {  	s19 =	spop @!p0 (v2sf)  }
0x106: {  	s19 =	sshll.u32 @!p0 s19, $0x7  }
0x107: {  	p1 =	sgt.s32 @!p0 s19, $0xF41FF  }
0x108: {  	p2 =	por !p1, p0  }
0x109: {  	p1 =	por p1, p0;
	s20 =	simm.s32 @!p2 $0x0  }
0x10a: {  	s21 =	simm.s32 @!p2 $0x10780;
	s19 =	sand.u32 @!p1 $0x1FFFFF80, s19;
	s22 =	simm.s32 @!p1 $0x10780  }
0x10b: {  	[tilespmem:s21], [sflag:$0x1] =	stream.linear.gather @!p2 [hbm4b:s7+s20], $0x2000, $0x38;
	[tilespmem:$0x1D780] =	vst v63  }
0x10c: {  	s19 =	sadd.s32 @!p1 s3, s19;
	s20 =	simm.s32 @!p1 $0x400;
	s21 =	simm.s32 @!p1 $0x7A1400  }
0x10d: {  	[tilespmem:s22], [sflag:$0x1] =	stream.strided.gather @!p1 [hbm4b:s19+s20], $0x2000, s21, s20, $0x38;
	[tilespmem:$0x1D780] =	vst v63  }
0x10e: {  	p1 =	seq.s32 @!p0 s18, $0x3  }
0x10f: {  	p0 =	por p0, p1  }
0x110: {  	v8 =	vld @!p0 [tilespmem:$0xC300];
	_ =	sdelay $0x3  }
0x111: {  	vm2 =	vcmask @!p0 $0xB10  }
0x112: {  	v8 =	vsel @!p0 vm2, $0x0, v8  }
0x113: {  	(xrf0) =	vadd.scan.msk.s32 @!p0 $0xffff, v8;
	_ =	sdelay $0x5  }
0x114: {  	v8, _, _ =	vpop @!p0 (xrf0)  }
0x115: {  	(v2sf) =	vpush @!p0 v8, $0xF;
	_ =	sdelay $0xe  }
0x116: {  	s19 =	spop @!p0 (v2sf)  }
0x117: {  	s19 =	sshll.u32 @!p0 s19, $0x7  }
0x118: {  	p1 =	sgt.s32 @!p0 s19, $0xF41FF  }
0x119: {  	p2 =	por !p1, p0  }
0x11a: {  	p1 =	por p1, p0;
	s20 =	simm.s32 @!p2 $0x0  }
0x11b: {  	s21 =	simm.s32 @!p2 $0x12780;
	s19 =	sand.u32 @!p1 $0x1FFFFF80, s19;
	s22 =	simm.s32 @!p1 $0x12780  }
0x11c: {  	[tilespmem:s21], [sflag:$0x1] =	stream.linear.gather @!p2 [hbm4b:s7+s20], $0x2000, $0x38;
	[tilespmem:$0x1D780] =	vst v63  }
0x11d: {  	s19 =	sadd.s32 @!p1 s3, s19;
	s20 =	simm.s32 @!p1 $0x400;
	s21 =	simm.s32 @!p1 $0x7A1400  }
0x11e: {  	[tilespmem:s22], [sflag:$0x1] =	stream.strided.gather @!p1 [hbm4b:s19+s20], $0x2000, s21, s20, $0x38;
	[tilespmem:$0x1D780] =	vst v63  }
0x11f: {  	p1 =	slt.u32 @!p0 s18, $0x5  }
0x120: {  	p0 =	por p0, p1  }
0x121: {  	v8 =	vld @!p0 [tilespmem:$0xC300];
	_ =	sdelay $0x3  }
0x122: {  	vm2 =	vcmask @!p0 $0xF14  }
0x123: {  	v8 =	vsel @!p0 vm2, $0x0, v8  }
0x124: {  	(xrf0) =	vadd.scan.msk.s32 @!p0 $0xffff, v8;
	_ =	sdelay $0x5  }
0x125: {  	v8, _, _ =	vpop @!p0 (xrf0)  }
0x126: {  	(v2sf) =	vpush @!p0 v8, $0xF;
	_ =	sdelay $0xe  }
0x127: {  	s19 =	spop @!p0 (v2sf)  }
0x128: {  	s19 =	sshll.u32 @!p0 s19, $0x7  }
0x129: {  	p1 =	sgt.s32 @!p0 s19, $0xF41FF  }
0x12a: {  	p2 =	por !p1, p0  }
0x12b: {  	p1 =	por p1, p0;
	s20 =	simm.s32 @!p2 $0x0  }
0x12c: {  	s21 =	simm.s32 @!p2 $0x14780;
	s19 =	sand.u32 @!p1 $0x1FFFFF80, s19;
	s22 =	simm.s32 @!p1 $0x14780  }
0x12d: {  	[tilespmem:s21], [sflag:$0x1] =	stream.linear.gather @!p2 [hbm4b:s7+s20], $0x2000, $0x38;
	[tilespmem:$0x1D780] =	vst v63  }
0x12e: {  	s19 =	sadd.s32 @!p1 s3, s19;
	s20 =	simm.s32 @!p1 $0x400;
	s21 =	simm.s32 @!p1 $0x7A1400  }
0x12f: {  	[tilespmem:s22], [sflag:$0x1] =	stream.strided.gather @!p1 [hbm4b:s19+s20], $0x2000, s21, s20, $0x38;
	[tilespmem:$0x1D780] =	vst v63  }
0x130: {  	p1 =	seq.s32 @!p0 s18, $0x5  }
0x131: {  	p0 =	por p0, p1  }
.Ltmp7:
0x132: {  	_ = 	snop;
	(pc) =	sbr.rel @p0 .LBB2_12-.Ltmp7, $1  }
0x133: {  	_ =	sdelay $0x3  }
0x134: {  	v8 =	vld [tilespmem:$0xC300];
	_ =	sdelay $0x4  }
0x135: {  	v8 =	vsel vm1, $0x0, v8  }
0x136: {  	(xrf0) =	vadd.scan.msk.s32 $0xffff, v8;
	_ =	sdelay $0x5  }
0x137: {  	v8, _, _ =	vpop (xrf0)  }
0x138: {  	(v2sf) =	vpush v8, $0xF;
	_ =	sdelay $0xe  }
0x139: {  	s19 =	spop (v2sf)  }
0x13a: {  	s19 =	sshll.u32 s19, $0x7  }
0x13b: {  	p0 =	sgt.s32 s19, $0xF41FF  }
0x13c: {  	s20 =	simm.s32 @p0 $0x0  }
0x13d: {  	s21 =	simm.s32 @p0 $0x16780;
	s19 =	sand.u32 @!p0 $0x1FFFFF80, s19;
	s22 =	simm.s32 @!p0 $0x16780  }
0x13e: {  	[tilespmem:s21], [sflag:$0x1] =	stream.linear.gather @p0 [hbm4b:s7+s20], $0x2000, $0x38;
	[tilespmem:$0x1D780] =	vst v63  }
0x13f: {  	s19 =	sadd.s32 @!p0 s3, s19;
	s20 =	simm.s32 @!p0 $0x400;
	s21 =	simm.s32 @!p0 $0x7A1400  }
0x140: {  	[tilespmem:s22], [sflag:$0x1] =	stream.strided.gather @!p0 [hbm4b:s19+s20], $0x2000, s21, s20, $0x38;
	[tilespmem:$0x1D780] =	vst v63  }
0x141: {  	p0 =	slt.u32 s18, $0x7  }
0x142: {  	v8 =	vld @!p0 [tilespmem:$0xC300];
	_ =	sdelay $0x3  }
0x143: {  	vm2 =	vcmask @!p0 $0x171C  }
0x144: {  	v8 =	vsel @!p0 vm2, $0x0, v8  }
0x145: {  	(xrf0) =	vadd.scan.msk.s32 @!p0 $0xffff, v8;
	_ =	sdelay $0x5  }
0x146: {  	v8, _, _ =	vpop @!p0 (xrf0)  }
0x147: {  	(v2sf) =	vpush @!p0 v8, $0xF;
	_ =	sdelay $0xe  }
0x148: {  	s19 =	spop @!p0 (v2sf)  }
0x149: {  	s19 =	sshll.u32 @!p0 s19, $0x7  }
0x14a: {  	p1 =	sgt.s32 @!p0 s19, $0xF41FF  }
0x14b: {  	p2 =	por !p1, p0  }
0x14c: {  	p1 =	por p1, p0;
	s20 =	simm.s32 @!p2 $0x0  }
0x14d: {  	s21 =	simm.s32 @!p2 $0x18780;
	s19 =	sand.u32 @!p1 $0x1FFFFF80, s19;
	s22 =	simm.s32 @!p1 $0x18780  }
0x14e: {  	[tilespmem:s21], [sflag:$0x1] =	stream.linear.gather @!p2 [hbm4b:s7+s20], $0x2000, $0x38;
	[tilespmem:$0x1D780] =	vst v63  }
0x14f: {  	s19 =	sadd.s32 @!p1 s3, s19;
	s20 =	simm.s32 @!p1 $0x400;
	s21 =	simm.s32 @!p1 $0x7A1400  }
0x150: {  	[tilespmem:s22], [sflag:$0x1] =	stream.strided.gather @!p1 [hbm4b:s19+s20], $0x2000, s21, s20, $0x38;
	[tilespmem:$0x1D780] =	vst v63  }
0x151: {  	p1 =	seq.s32 @!p0 s18, $0x7  }
0x152: {  	p2 =	por p1, p0  }
0x153: {  	v8 =	vld @!p2 [tilespmem:$0xC300];
	_ =	sdelay $0x3  }
0x154: {  	vm2 =	vcmask @!p2 $0x1B20  }
0x155: {  	v8 =	vsel @!p2 vm2, $0x0, v8  }
0x156: {  	(xrf0) =	vadd.scan.msk.s32 @!p2 $0xffff, v8;
	_ =	sdelay $0x5  }
0x157: {  	v8, _, _ =	vpop @!p2 (xrf0)  }
0x158: {  	(v2sf) =	vpush @!p2 v8, $0xF;
	_ =	sdelay $0xe  }
0x159: {  	s19 =	spop @!p2 (v2sf)  }
0x15a: {  	s19 =	sshll.u32 @!p2 s19, $0x7  }
0x15b: {  	p2 =	sgt.s32 @!p2 s19, $0xF41FF  }
0x15c: {  	p3 =	por @!p0 !p2, p1  }
0x15d: {  	p1 =	por @!p0 p2, p1;
	p3 =	por p3, p0  }
0x15e: {  	p0 =	por p1, p0;
	s20 =	simm.s32 @!p3 $0x0  }
0x15f: {  	s21 =	simm.s32 @!p3 $0x1A780;
	s19 =	sand.u32 @!p0 $0x1FFFFF80, s19;
	s22 =	simm.s32 @!p0 $0x1A780  }
0x160: {  	[tilespmem:s21], [sflag:$0x1] =	stream.linear.gather @!p3 [hbm4b:s7+s20], $0x2000, $0x38;
	[tilespmem:$0x1D780] =	vst v63  }
0x161: {  	s19 =	sadd.s32 @!p0 s3, s19;
	s20 =	simm.s32 @!p0 $0x400;
	s21 =	simm.s32 @!p0 $0x7A1400  }
0x162: {  	[tilespmem:s22], [sflag:$0x1] =	stream.strided.gather @!p0 [hbm4b:s19+s20], $0x2000, s21, s20, $0x38;
	[tilespmem:$0x1D780] =	vst v63  }
.LBB2_12:
.Ltmp8:
0x163: {  	(pc) =	sbr.rel .LBB2_13-.Ltmp8, $2  }
0x164: {  	_ =	sdelay $0x2  }
0x165: {  	s20 =	simm.s32 $0x0;
	s19 =	simm.s32 $0x0  }
.LBB2_14:
0x166: {  	s21 =	smov.u32 s20  }
.LBB2_22:
0x167: {  	s22 =	sadd.s32 $0x8, s19  }
0x168: {  	p0 =	sge.s32 s22, s18  }
0x169: {  	s23 =	sshra.s32 @!p0 s22, $0x1F  }
0x16a: {  	s24 =	sshrl.u32 @!p0 s23, $0x1C  }
0x16b: {  	s24 =	sadd.s32 @!p0 s24, s22  }
0x16c: {  	s25 =	sshll.u32 @!p0 s24, $0x2  }
0x16d: {  	s25 =	sshra.s32 @!p0 s25, $0x2  }
0x16e: {  	s25 =	sand.u32 @!p0 $0xFFFFFFF0, s25  }
0x16f: {  	v8 =	vld @!p0 [tilespmem:s25+$0xC300]  }
0x170: {  	s24 =	sand.u32 @!p0 $0xFFFFFFF0, s24  }
0x171: {  	s24 =	ssub.s32 @!p0 s22, s24  }
0x172: {  	v10 =	vlaneseq.u32 @!p0;
	v9 =	vmov @!p0 s24  }
0x173: {  	vm2 =	veq.s32 @!p0 v9, v10  }
0x174: {  	v8 =	vnsel @!p0 vm2, $0x0, v8  }
0x175: {  	(xrf0) =	vadd.scan.msk.s32 @!p0 $0xffff, v8;
	_ =	sdelay $0x5  }
0x176: {  	v8, _, _ =	vpop @!p0 (xrf0)  }
0x177: {  	(v2sf) =	vpush @!p0 v8, $0xF;
	_ =	sdelay $0xc  }
0x178: {  	s23 =	sshrl.u32 @!p0 s23, $0x1D  }
0x179: {  	s23 =	sadd.s32 @!p0 s23, s22  }
0x17a: {  	s23 =	sand.u32 @!p0 $0x1FFF8, s23;
	s24 =	spop @!p0 (v2sf)  }
0x17b: {  	s22 =	ssub.s32 @!p0 s22, s23;
	s24 =	sshll.u32 @!p0 s24, $0x7  }
0x17c: {  	s22 =	sshll.u32 @!p0 s22, $0xF;
	p1 =	sgt.s32 @!p0 s24, $0xF41FF  }
0x17d: {  	s22 =	sshra.s32 @!p0 s22, $0x2;
	p2 =	por !p1, p0  }
0x17e: {  	s22 =	sadd.s32 @!p0 $0xC780, s22;
	p0 =	por p1, p0;
	s23 =	simm.s32 @!p2 $0x0  }
0x17f: {  	[tilespmem:s22], [sflag:$0x1] =	stream.linear.gather @!p2 [hbm4b:s7+s23], $0x2000, $0x38;
	[tilespmem:$0x1D780] =	vst v63  }
0x180: {  	s19 =	sadd.s32 $0x1, s19;
	s23 =	sand.u32 @!p0 $0x1FFFFF80, s24  }
0x181: {  	s25 =	simm.s32 @!p0 $0x7A1400;
	s24 =	simm.s32 @!p0 $0x400;
	s23 =	sadd.s32 @!p0 s3, s23  }
0x182: {  	[tilespmem:s22], [sflag:$0x1] =	stream.strided.gather @!p0 [hbm4b:s23+s24], $0x2000, s25, s24, $0x38;
	[tilespmem:$0x1D780] =	vst v63  }
0x183: {  	p0 =	sne.s32 s19, s18  }
.Ltmp9:
0x184: {  	_ = 	snop;
	(pc) =	sbr.rel @!p0 .LBB2_23-.Ltmp9, $1  }
0x185: {  	_ =	sdelay $0x3  }
.LBB2_13:
0x186: {  	_ =	swait.ge [sflag:s14], $0x2000  }
0x187: {  	[sflag:s14] =	ssyncset.done $0x0  }
0x188: {  	s21 =	sand.u32 $0x7FFFFFF0, s19;
	[sflag:s14] =	ssyncadd.s32 $0xFFFFE000  }
0x189: {  	v8 =	vld [tilespmem:s21+$0xC480]  }
0x18a: {  	v9 =	vld [tilespmem:s21+$0xC600]  }
0x18b: {  	s22 =	sand.u32 $0xF, s19  }
0x18c: {  	v10 =	vmov s22  }
0x18d: {  	vm2 =	veq.s32 v10, v0  }
0x18e: {  	v8 =	vnsel vm2, $0x0, v8  }
0x18f: {  	(xrf0) =	vadd.scan.msk.s32 $0xffff, v8;
	v8 =	vnsel vm2, $0x0, v9  }
0x190: {  	(xrf0) =	vadd.scan.msk.s32 $0xffff, v8;
	_ =	sdelay $0x4  }
0x191: {  	v8, _, _ =	vpop (xrf0)  }
0x192: {  	(v2sf) =	vpush v8, $0xF;
	v8, _, _ =	vpop (xrf0)  }
0x193: {  	(v2sf) =	vpush v8, $0xF;
	_ =	sdelay $0xd  }
0x194: {  	s26 =	spop (v2sf)  }
0x195: {  	s23 =	spop (v2sf)  }
0x196: {  	p0 =	sge.s32 s26, s23  }
.Ltmp10:
0x197: {  	_ = 	snop;
	(pc) =	sbr.rel @p0 .LBB2_14-.Ltmp10, $1  }
0x198: {  	_ =	sdelay $0x3  }
0x199: {  	v8 =	vld [tilespmem:s21+$0xC300];
	_ =	sdelay $0x4  }
0x19a: {  	v8 =	vnsel vm2, $0x0, v8  }
0x19b: {  	(xrf0) =	vadd.scan.msk.s32 $0xffff, v8;
	_ =	sdelay $0x5  }
0x19c: {  	v8, _, _ =	vpop (xrf0)  }
0x19d: {  	(v2sf) =	vpush v8, $0xF;
	_ =	sdelay $0xc  }
0x19e: {  	s24 =	sadd.s32 $0x1, s26  }
0x19f: {  	p1 =	sne.s32 s23, s24  }
.Ltmp11:
0x1a0: {  	s25 =	sshra.s32 s26, $0x1F;
	s29 =	spop (v2sf);
	(pc) =	sbr.rel @!p1 .LBB2_16-.Ltmp11, $4  }
0x1a1: {  	s30 =	sand.u32 $0x7, s19;
	s25 =	sshrl.u32 s25, $0x1C;
	s21 =	sshll.u32 s29, $0x7  }
0x1a2: {  	p0 =	slt.s32 s21, $0xF4200;
	s22 =	ssub.s32 $0x0, s21;
	s21 =	sshll.u32 s30, $0xD  }
0x1a3: {  	s28 =	sadd.s32 s20, s23;
	s31 =	sadd.s32 s25, s26;
	v11 =	vor.u32 s21, v1  }
0x1a4: {  	s22 =	simm.s32 @!p0 $0xFFF0BE40;
	v10 =	vor.u32 s21, v5;
	v9 =	vor.u32 s21, v6;
	v8 =	vor.u32 s21, v7;
	s21 =	ssub.s32 s28, s26;
	p0 =	por $0x0, $0x0  }
0x1a5: {  	s25 =	sand.u32 $0xFFFFFFF0, s31  }
0x1a6: {  	v12 =	vld [tilespmem:s25+$0x4000];
	_ =	sdelay $0x1  }
0x1a7: {  	s26 =	ssub.s32 s26, s25  }
0x1a8: {  	v13 =	vmov s26  }
0x1a9: {  	vm2 =	veq.s32 v13, v0;
	v13 =	vld [tilespmem:s25+$0x8000]  }
0x1aa: {  	v12 =	vnsel vm2, $0x0, v12  }
0x1ab: {  	(xrf0) =	vadd.scan.msk.s32 $0xffff, v12;
	_ =	sdelay $0x2  }
0x1ac: {  	v12 =	vnsel vm2, $0x0, v13;
	_ =	sdelay $0x2  }
0x1ad: {  	(xrf0) =	vadd.scan.msk.s32 $0xffff, v12;
	v12, _, _ =	vpop (xrf0)  }
0x1ae: {  	(v2sf) =	vpush v12, $0xF;
	_ =	sdelay $0x4  }
0x1af: {  	v12, _, _ =	vpop (xrf0)  }
0x1b0: {  	(v2sf) =	vpush v12, $0xF;
	_ =	sdelay $0x8  }
0x1b1: {  	s26 =	spop (v2sf)  }
0x1b2: {  	s25 =	sadd.s32 s22, s26  }
0x1b3: {  	v12 =	vmov s25  }
0x1b4: {  	v13 =	vand.u32 $0xFFFFFF80, v12  }
0x1b5: {  	v12 =	vand.u32 $0x7F, v12;
	v14 =	vadd.s32 v13, v11  }
0x1b6: {  	p0 =	slt.s32 s20, $0x40;
	v14 =	vor.u32 v12, v14  }
0x1b7: {  	s26 =	simm.s32 @!p0 $0x2;
	s25 =	spop (v2sf)  }
0x1b8: {  	_ =	swait.ge @!p0 [sflag:s26], $0x40  }
0x1b9: {  	s28 =	sshra.s32 s20, $0x1F;
	[sflag:s26] =	ssyncset.done @!p0 $0x0  }
0x1ba: {  	[sflag:s26] =	ssyncadd.s32 @!p0 $0xFFFFFFC0;
	s26 =	sshrl.u32 s28, $0x1A  }
0x1bb: {  	v15 =	vadd.s32 v13, v10;
	s26 =	sadd.s32 s26, s20;
	v14 =	vld.idx.msk [tilespmem:v14+s15+$0x0], $0xffff  }
0x1bc: {  	v15 =	vor.u32 v12, v15;
	s26 =	sand.u32 $0xFFFFFFC0, s26  }
0x1bd: {  	s26 =	ssub.s32 s20, s26  }
0x1be: {  	s26 =	sshll.u32 s26, $0x8  }
0x1bf: {  	s29 =	sshra.s32 s26, $0x2  }
0x1c0: {  	[tilespmem:s29+$0x1C780] =	vst v14  }
0x1c1: {  	v14 =	vadd.s32 v13, v9;
	v15 =	vld.idx.msk [tilespmem:v15+s15+$0x0], $0xffff  }
0x1c2: {  	v14 =	vor.u32 v12, v14;
	_ =	sdelay $0x3  }
0x1c3: {  	[tilespmem:s29+$0x1C790] =	vst v15  }
0x1c4: {  	v13 =	vadd.s32 v13, v8;
	v14 =	vld.idx.msk [tilespmem:v14+s15+$0x0], $0xffff  }
0x1c5: {  	v12 =	vor.u32 v12, v13;
	_ =	sdelay $0x1  }
0x1c6: {  	s26 =	sadd.s32 $0x1, s24  }
0x1c7: {  	p1 =	sne.s32 s23, s26  }
.Ltmp12:
0x1c8: {  	[tilespmem:s29+$0x1C7A0] =	vst v14;
	(pc) =	sbr.rel @!p1 .LBB2_18-.Ltmp12, $4  }
0x1c9: {  	s25 =	sshll.u32 s25, $0x3;
	v12 =	vld.idx.msk [tilespmem:v12+s15+$0x0], $0xffff  }
0x1ca: {  	s30 =	sshra.s32 s24, $0x1F;
	s25 =	sand.u32 $0x1FFFFFF8, s25  }
0x1cb: {  	s28 =	sadd.s32 s4, s25;
	s25 =	sshrl.u32 s30, $0x1C;
	p0 =	por $0x1, $0x1  }
0x1cc: {  	s31 =	sadd.s32 s25, s24;
	s25 =	smov.u32 s20;
	s30 =	sadd.s32 $0x1C780, s29  }
.LBB2_19:
0x1cd: {  	s31 =	sand.u32 $0xFFFFFFF0, s31  }
0x1ce: {  	[tilespmem:s29+$0x1C7B0] =	vst v12;
	s25 =	sadd.s32 $0x1, s25;
	s29 =	smov.u32 s26;
	s26 =	sadd.s32 $0x1, s26  }
0x1cf: {  	[hbm4b:s28+s5] =	stream.linear.scatter [tilespmem:s30], [sflag:$0x2], $0x40, $0x38;
	[tilespmem:$0x1D780] =	vst v63  }
0x1d0: {  	p1 =	sne.s32 s23, s26;
	s28 =	ssub.s32 s24, s31;
	s24 =	smov.u32 s29;
	v12 =	vld [tilespmem:s31+$0x4000]  }
0x1d1: {  	v13 =	vmov s28;
	v14 =	vld [tilespmem:s31+$0x8000];
	_ =	sdelay $0x2  }
0x1d2: {  	vm2 =	veq.s32 v13, v0  }
0x1d3: {  	v12 =	vnsel vm2, $0x0, v12  }
0x1d4: {  	v13 =	vnsel vm2, $0x0, v14;
	(xrf0) =	vadd.scan.msk.s32 $0xffff, v12  }
0x1d5: {  	(xrf0) =	vadd.scan.msk.s32 $0xffff, v13;
	_ =	sdelay $0x4  }
0x1d6: {  	v12, _, _ =	vpop (xrf0)  }
0x1d7: {  	(v2sf) =	vpush v12, $0xF;
	v12, _, _ =	vpop (xrf0)  }
0x1d8: {  	(v2sf) =	vpush v12, $0xF;
	_ =	sdelay $0xd  }
0x1d9: {  	s28 =	spop (v2sf)  }
0x1da: {  	s28 =	sadd.s32 s22, s28;
	s29 =	spop (v2sf)  }
0x1db: {  	v12 =	vmov s28;
	s28 =	sshll.u32 s29, $0x3  }
0x1dc: {  	v13 =	vand.u32 $0xFFFFFF80, v12;
	s28 =	sand.u32 $0x1FFFFFF8, s28  }
0x1dd: {  	v12 =	vand.u32 $0x7F, v12;
	v14 =	vadd.s32 v13, v11;
	v15 =	vadd.s32 v13, v10;
	s28 =	sadd.s32 s4, s28  }
0x1de: {  	p2 =	slt.s32 s25, $0x40;
	v16 =	vadd.s32 v13, v9;
	v14 =	vor.u32 v12, v14;
	v15 =	vor.u32 v12, v15  }
0x1df: {  	s29 =	simm.s32 @!p2 $0x2;
	v13 =	vadd.s32 v13, v8;
	v16 =	vor.u32 v12, v16  }
0x1e0: {  	v12 =	vor.u32 v12, v13;
	_ =	swait.ge @!p2 [sflag:s29], $0x40  }
0x1e1: {  	[sflag:s29] =	ssyncset.done @!p2 $0x0  }
0x1e2: {  	s30 =	sshra.s32 s25, $0x1F;
	[sflag:s29] =	ssyncadd.s32 @!p2 $0xFFFFFFC0  }
0x1e3: {  	s29 =	sshrl.u32 s30, $0x1A;
	v13 =	vld.idx.msk [tilespmem:v14+s15+$0x0], $0xffff  }
0x1e4: {  	s29 =	sadd.s32 s29, s25  }
0x1e5: {  	s29 =	sand.u32 $0xFFFFFFC0, s29  }
0x1e6: {  	s29 =	ssub.s32 s25, s29  }
0x1e7: {  	s29 =	sshll.u32 s29, $0x8  }
0x1e8: {  	s29 =	sshra.s32 s29, $0x2  }
0x1e9: {  	s30 =	sadd.s32 $0x1C780, s29;
	[tilespmem:s29+$0x1C780] =	vst v13  }
0x1ea: {  	v13 =	vld.idx.msk [tilespmem:v15+s15+$0x0], $0xffff;
	_ =	sdelay $0x5  }
0x1eb: {  	[tilespmem:s29+$0x1C790] =	vst v13  }
0x1ec: {  	v13 =	vld.idx.msk [tilespmem:v16+s15+$0x0], $0xffff;
	_ =	sdelay $0x5  }
0x1ed: {  	[tilespmem:s29+$0x1C7A0] =	vst v13  }
0x1ee: {  	v12 =	vld.idx.msk [tilespmem:v12+s15+$0x0], $0xffff  }
.Ltmp13:
0x1ef: {  	(pc) =	sbr.rel @p1 .LBB2_19-.Ltmp13, $4  }
0x1f0: {  	_ = 	snop  }
0x1f1: {  	s31 =	sshra.s32 s24, $0x1F  }
0x1f2: {  	s31 =	sshrl.u32 s31, $0x1C  }
0x1f3: {  	s31 =	sadd.s32 s31, s24  }
0x1f4: {  	s26 =	smov.u32 s24  }
.LBB2_21:
0x1f5: {  	s23 =	sand.u32 $0xFFFFFFF0, s31;
	[tilespmem:s29+$0x1C7B0] =	vst @p0 v12  }
0x1f6: {  	[hbm4b:s28+s5] =	stream.linear.scatter @p0 [tilespmem:s30], [sflag:$0x2], $0x40, $0x38;
	[tilespmem:$0x1D780] =	vst v63  }
0x1f7: {  	v12 =	vld [tilespmem:s23+$0x4000];
	_ =	sdelay $0x1  }
0x1f8: {  	s24 =	ssub.s32 s26, s23  }
0x1f9: {  	v13 =	vmov s24  }
0x1fa: {  	vm2 =	veq.s32 v13, v0  }
0x1fb: {  	v12 =	vnsel vm2, $0x0, v12  }
0x1fc: {  	v58 =	vld [tilespmem:s23+$0x8000];
	(xrf0) =	vadd.scan.msk.s32 $0xffff, v12;
	_ =	sdelay $0x4  }
0x1fd: {  	v59 =	vnsel vm2, $0x0, v58  }
0x1fe: {  	(xrf0) =	vadd.scan.msk.s32 $0xffff, v59;
	v60, _, _ =	vpop (xrf0)  }
0x1ff: {  	(v2sf) =	vpush v60, $0xF;
	_ =	sdelay $0x4  }
0x200: {  	v61, _, _ =	vpop (xrf0)  }
0x201: {  	(v2sf) =	vpush v61, $0xF;
	_ =	sdelay $0x8  }
0x202: {  	s26 =	spop (v2sf)  }
0x203: {  	s22 =	sadd.s32 s22, s26  }
0x204: {  	v62 =	vmov s22  }
0x205: {  	s22 =	sadd.s32 @p0 $0x1, s25;
	v63 =	vand.u32 $0xFFFFFF80, v62  }
0x206: {  	v12 =	vand.u32 $0x7F, v62;
	s20 =	smov.u32 @p0 s22;
	v11 =	vadd.s32 v63, v11  }
0x207: {  	p0 =	slt.s32 s20, $0x40;
	v11 =	vor.u32 v12, v11  }
0x208: {  	s28 =	spop (v2sf);
	s23 =	simm.s32 @!p0 $0x2  }
0x209: {  	_ =	swait.ge @!p0 [sflag:s23], $0x40  }
0x20a: {  	s29 =	sshra.s32 s20, $0x1F;
	[sflag:s23] =	ssyncset.done @!p0 $0x0  }
0x20b: {  	s30 =	sshrl.u32 s29, $0x1A;
	[sflag:s23] =	ssyncadd.s32 @!p0 $0xFFFFFFC0  }
0x20c: {  	v10 =	vadd.s32 v63, v10;
	s23 =	sadd.s32 s30, s20;
	v11 =	vld.idx.msk [tilespmem:v11+s15+$0x0], $0xffff  }
0x20d: {  	v10 =	vor.u32 v12, v10;
	s23 =	sand.u32 $0xFFFFFFC0, s23  }
0x20e: {  	s20 =	ssub.s32 s20, s23  }
0x20f: {  	s20 =	sshll.u32 s20, $0x8  }
0x210: {  	s20 =	sshra.s32 s20, $0x2  }
0x211: {  	[tilespmem:s20+$0x1C780] =	vst v11  }
0x212: {  	v9 =	vadd.s32 v63, v9;
	v10 =	vld.idx.msk [tilespmem:v10+s15+$0x0], $0xffff  }
0x213: {  	v9 =	vor.u32 v12, v9;
	_ =	sdelay $0x3  }
0x214: {  	[tilespmem:s20+$0x1C790] =	vst v10  }
0x215: {  	v8 =	vadd.s32 v63, v8;
	v9 =	vld.idx.msk [tilespmem:v9+s15+$0x0], $0xffff  }
0x216: {  	v8 =	vor.u32 v12, v8;
	_ =	sdelay $0x3  }
0x217: {  	[tilespmem:s20+$0x1C7A0] =	vst v9  }
0x218: {  	v8 =	vld.idx.msk [tilespmem:v8+s15+$0x0], $0xffff;
	_ =	sdelay $0x1  }
.Ltmp14:
0x219: {  	_ = 	snop;
	(pc) =	sbr.rel .LBB2_22-.Ltmp14, $4  }
0x21a: {  	s22 =	sshll.u32 s28, $0x3  }
0x21b: {  	s22 =	sand.u32 $0x1FFFFFF8, s22  }
0x21c: {  	s22 =	sadd.s32 s4, s22;
	s31 =	sadd.s32 $0x1C780, s20;
	[tilespmem:s20+$0x1C7B0] =	vst v8;
	s20 =	smov.u32 s21  }
0x21d: {  	[hbm4b:s22+s5] =	stream.linear.scatter [tilespmem:s31], [sflag:$0x2], $0x40, $0x38;
	[tilespmem:$0x1D780] =	vst v63  }
.LBB2_16:
.Ltmp15:
0x21e: {  	(pc) =	sbr.rel .LBB2_21-.Ltmp15, $2  }
0x21f: {  	_ =	sdelay $0x2  }
0x220: {  	s25 =	smov.u32 s20  }
.LBB2_18:
.Ltmp16:
0x221: {  	(pc) =	sbr.rel .LBB2_21-.Ltmp16, $2  }
0x222: {  	_ =	sdelay $0x2  }
0x223: {  	s25 =	smov.u32 s20;
	s26 =	smov.u32 s24  }
.LBB2_23:
0x224: {  	p0 =	slt.s32 s21, $0x1  }
.Ltmp17:
0x225: {  	_ = 	snop;
	(pc) =	sbr.rel @p0 .LBB2_27-.Ltmp17, $1  }
0x226: {  	_ =	sdelay $0x3  }
0x227: {  	p0 =	slt.s32 s21, $0x40  }
0x228: {  	s21 =	simm.s32 @!p0 $0x40  }
0x229: {  	p0 =	sne.s32 s21, $0x1  }
.Ltmp18:
0x22a: {  	_ = 	snop;
	(pc) =	sbr.rel @!p0 .LBB2_26-.Ltmp18, $3  }
0x22b: {  	_ =	sdelay $0x1  }
0x22c: {  	_ =	swait.ge [sflag:s16], $0x40  }
0x22d: {  	[sflag:s16] =	ssyncset.done $0x0;
	s18 =	sadd.s32 $0xFFFFFFFF, s21  }
.LBB2_25:
0x22e: {  	p0 =	sne.s32 s18, $0x1;
	s18 =	sadd.s32 $0xFFFFFFFF, s18;
	[sflag:s16] =	ssyncadd.s32 $0xFFFFFFC0  }
.Ltmp19:
0x22f: {  	(pc) =	sbr.rel @p0 .LBB2_25-.Ltmp19, $3  }
0x230: {  	_ =	sdelay $0x1  }
0x231: {  	_ =	swait.ge [sflag:s16], $0x40  }
0x232: {  	[sflag:s16] =	ssyncset.done $0x0  }
.Ltmp20:
0x233: {  	_ = 	snop;
	(pc) =	sbr.rel .LBB2_26-.Ltmp20, $1  }
0x234: {  	_ =	sdelay $0x3  }
.LBB2_28:
0x235: {  	_ =	sfence.sel $0x180000  }
0x236: {  	[bflag:$0x0] =	sbarrier.arrive $0xFFFF  }
0x237: {  	p0 =	sne.s32 s2, $0x0;
	_ =	strace $0x90000047  }
0x238: {  	s0 =	sadd.s32 @!p0 $0x100000, s0;
	[bflag:$0x2] =	sbarrier.arrive $0xFFFF  }
0x239: {  	[sflag:s0] =	ssyncadd.tile.s32 @!p0 $0x1;
	_ =	shalt  }
.Lfunc_end2:
_tile_overlayer_lowered:
.L_overlay_start_2:
0x23a: {  	(tag) =	ssettag $0x2  }
0x23b: {  	s0 =	rddreg [dreg:$0x0];
	s2 =	stileid.u32  }
0x23c: {  	s1 =	rddreg [dreg:$0x1];
	p0 =	sne.s32 s2, $0x0  }
0x23d: {  	s3 =	rddreg [dreg:$0x2];
	[bflag:$0x3] =	sbarrier.arrive $0xFFFF;
	s2 =	simm.s32 @!p0 $0x1C03  }
0x23e: {  	[timem:s3], [sflag:s2] =	dma.local @!p0 [hbm:s0], s1  }
0x23f: {  	s0 =	simm.s32 @!p0 $0x3  }
0x240: {  	_ =	swait.ge @!p0 [sflag:s0], s1  }
0x241: {  	s1 =	ssub.s32 @!p0 $0x0, s1;
	[sflag:s0] =	ssyncset.done @!p0 $0x0  }
0x242: {  	[sflag:s0] =	ssyncadd.s32 @!p0 s1  }
0x243: {  	[bflag:$0x3] =	sbarrier.arrive $0xFFFF  }
0x244: {  	_ =	shalt  }

</sc_bundles>
